<compile_context>
chip_gen: v7x
topology: tpu7x:2x2x1
jax: 0.10.2.dev20260603
libtpu: 0.0.44.dev20260713+nightly
codegen_flags: <defaults>
</compile_context>

<pallas_src>
import functools

import jax
import jax.numpy as jnp
from jax import lax
from jax.experimental import pallas as pl
from jax.experimental.pallas import tpu as pltpu
from jax.experimental.pallas import tpu_sc as plsc

L = 16
NC = 2
NS = 16
SLOTS = 8


def _sc_mesh():
  return plsc.VectorSubcoreMesh(
      core_axis_name="c", subcore_axis_name="s", num_cores=NC, num_subcores=NS)


def _stage1_scores_copy(w_ref, x_ref, o_ref, s_ref):
  xb = x_ref[...]
  o_ref[...] = xb
  s_ref[...] = jnp.dot(xb, w_ref[...], preferred_element_type=jnp.float32)


def _stage4_layer(sel_ref, w_ref, b_ref, v_ref, o_ref):
  sb = sel_ref[...]
  p = jnp.dot(sb, w_ref[...], preferred_element_type=jnp.float32) + b_ref[...]
  sg = jax.nn.sigmoid(v_ref[...])
  o_ref[...] = sb + (p * sg - sb * sg)


def _make_topk(B, T, D, K, KP):
  CH = T // SLOTS
  NV = CH // L
  NVT = T // L
  WPT = K // SLOTS

  @functools.partial(
      pl.kernel,
      out_type=[
          jax.ShapeDtypeStruct((B * KP,), jnp.int32),
          jax.ShapeDtypeStruct((B * KP,), jnp.float32),
          jax.ShapeDtypeStruct((B * K, D), jnp.float32),
      ],
      mesh=_sc_mesh(),
      compiler_params=pltpu.CompilerParams(needs_layout_passes=False),
      scratch_types=[
          pltpu.VMEM((T,), jnp.float32),
          pltpu.VMEM((T,), jnp.uint32),
          pltpu.VMEM((T + 4 * L,), jnp.uint32),
          pltpu.VMEM((256,), jnp.int32),
          pltpu.VMEM((WPT + L,), jnp.int32),
          pltpu.VMEM((WPT + L,), jnp.float32),
          pltpu.VMEM((WPT, D), jnp.float32),
          pltpu.SemaphoreType.DMA,
      ],
  )
  def _topk(scores_hbm, x_hbm, rid_hbm, val_hbm, sel_hbm, svals, ukeys, cand,
            hist, myrid, myval, rows_v, sem):
    c = lax.axis_index("c")
    s = lax.axis_index("s")
    bl = s // SLOTS
    slot = s % SLOTS
    batch = c * 2 + bl
    base_flat = batch * T + slot * CH

    with jax.named_scope("tk_load"):
      pltpu.sync_copy(scores_hbm.at[pl.ds(batch * T, T)], svals)

    iota = lax.iota(jnp.int32, L)
    z16 = jnp.zeros((L,), jnp.int32)
    ones16 = jnp.ones((L,), jnp.int32)
    kk = jnp.int32(K)

    def _init(j, _):
      v = svals[pl.ds(j * L, L)]
      bts = plsc.bitcast(v, jnp.uint32)
      neg = bts >= jnp.uint32(0x80000000)
      ukeys[pl.ds(j * L, L)] = jnp.where(neg, ~bts, bts | jnp.uint32(0x80000000))
      return 0

    with jax.named_scope("tk_keys"):
      lax.fori_loop(0, NVT, _init, 0, unroll=4)

    def _hz(i, _):
      hist[pl.ds(i * L, L)] = z16
      return 0

    lax.fori_loop(0, 256 // L, _hz, 0)

    def _hb(j, _):
      kv = ukeys[pl.ds(j * L, L)]
      bins = (kv >> jnp.uint32(24)).astype(jnp.int32)
      plsc.addupdate_scatter(hist, [bins], ones16)
      return 0

    with jax.named_scope("tk_hist"):
      lax.fori_loop(0, NVT, _hb, 0, unroll=4)

    def _bs(i, carry):
      acc, bucket, gabove = carry
      r = (256 // L - 1) - i
      h = hist[pl.ds(r * L, L)]
      hrev = lax.rev(h, (0,))
      rc = plsc.cumsum(hrev)
      sge = acc + rc
      sgt = sge - hrev
      hitm = jnp.logical_and(sgt < kk, sge >= kk)
      bucket_vals = r * L + (L - 1) - iota
      bucket = jnp.max(jnp.where(hitm, bucket_vals,
                                 jnp.broadcast_to(bucket, (L,))))
      gabove = jnp.max(jnp.where(hitm, sgt, jnp.broadcast_to(gabove, (L,))))
      return (acc + jnp.max(rc), bucket, gabove)

    with jax.named_scope("tk_bscan"):
      _, bucket, gabove = lax.fori_loop(
          0, 256 // L, _bs, (jnp.int32(0), jnp.int32(0), jnp.int32(0)))

    bucket_u = bucket.astype(jnp.uint32)

    def _cc(j, cpos):
      kv = ukeys[pl.ds(j * L, L)]
      m = (kv >> jnp.uint32(24)) == bucket_u
      plsc.store_compressed(cand.at[pl.ds(cpos, L)], kv, mask=m)
      return cpos + jnp.max(plsc.all_reduce_population_count(m))

    with jax.named_scope("tk_compact"):
      cpos = lax.fori_loop(0, NVT, _cc, jnp.int32(0), unroll=4)
    zpad = jnp.zeros((L,), jnp.uint32)
    cand[pl.ds(cpos, L)] = zpad
    cand[pl.ds(cpos + L, L)] = zpad
    cand[pl.ds(cpos + 2 * L, L)] = zpad
    cand[pl.ds(cpos + 3 * L, L)] = zpad
    ncv = (cpos + (L - 1)) // L

    krem = kk - gabove
    lo0 = bucket_u << jnp.uint32(24)
    hi0 = lo0 + jnp.uint32(0x00FFFFFF)

    krem_v = jnp.broadcast_to(krem, (L,))
    lo0_v = jnp.broadcast_to(lo0, (L,))
    hi0_v = jnp.broadcast_to(hi0, (L,))
    one_u = jnp.broadcast_to(jnp.uint32(1), (L,))

    def _mk_bb(count_fn):
      def bb(i, carry):
        lo, hi = carry
        cont = lo < hi
        mid = lo + ((hi - lo) >> one_u)
        cg = count_fn(mid)
        smaller = cg < krem_v
        nlo = jnp.where(smaller, lo, mid + one_u)
        nhi = jnp.where(smaller, mid, hi)
        return (jnp.where(cont, nlo, lo), jnp.where(cont, nhi, hi))
      return bb

    def _bisect_fast(_):
      def count4(mid):
        acc = z16
        for j in range(4):
          kv = cand[pl.ds(j * L, L)]
          acc = acc + plsc.all_reduce_population_count(kv > mid)
        return acc
      _, t = lax.fori_loop(0, 24, _mk_bb(count4), (lo0_v, hi0_v))
      return t

    def _bisect_slow(_):
      def countn(mid):
        def cb(j, acc):
          kv = cand[pl.ds(j * L, L)]
          return acc + plsc.all_reduce_population_count(kv > mid)
        return lax.fori_loop(0, ncv, cb, z16)
      _, t = lax.fori_loop(0, 24, _mk_bb(countn), (lo0_v, hi0_v))
      return t

    with jax.named_scope("tk_bisect"):
      thr = lax.cond(cpos <= 64, _bisect_fast, _bisect_slow, 0)

    def cb2(j, acc):
      kv = ukeys[pl.ds(j * L, L)]
      return acc + plsc.all_reduce_population_count(kv > thr)

    with jax.named_scope("tk_counts"):
      agv = lax.fori_loop(0, NVT, cb2, z16, unroll=4)
    kk_v = jnp.broadcast_to(kk, (L,))
    need_v = kk_v - agv

    WPT = K // SLOTS
    win_lo = slot * WPT
    win_hi = win_lo + WPT
    base_b = batch * T

    win_lo_v = jnp.broadcast_to(win_lo, (L,))
    win_hi_v = jnp.broadcast_to(win_hi, (L,))

    def comp(j, carry):
      rank_v, eqc_v = carry
      kv = ukeys[pl.ds(j * L, L)]
      gtm = kv > thr
      eqm = kv == thr
      eq_i = eqm.astype(jnp.int32)
      incl_e = plsc.cumsum(eq_i)
      excl_e = incl_e - eq_i
      take_eq = jnp.logical_and(eqm, (eqc_v + excl_e) < need_v)
      takem = jnp.logical_or(gtm, take_eq)
      t_i = takem.astype(jnp.int32)
      incl_t = plsc.cumsum(t_i)
      excl_t = incl_t - t_i
      grank = rank_v + excl_t
      inwin = jnp.logical_and(
          takem,
          jnp.logical_and(grank >= win_lo_v, grank < win_hi_v))
      dst = jnp.clip(grank - win_lo_v, 0, WPT - 1)
      ridv = base_b + j * L + iota
      plsc.store_scatter(myrid, [dst], ridv, mask=inwin)
      plsc.store_scatter(myval, [dst], svals[pl.ds(j * L, L)], mask=inwin)
      return (rank_v + plsc.all_reduce_population_count(takem),
              eqc_v + plsc.all_reduce_population_count(eqm))

    with jax.named_scope("tk_comp"):
      lax.fori_loop(0, NVT, comp, (z16, z16), unroll=2)

    with jax.named_scope("tk_scat"):
      dst0 = batch * KP + slot * WPT
      pltpu.sync_copy(myrid.at[pl.ds(0, WPT)], rid_hbm.at[pl.ds(dst0, WPT)])
      pltpu.sync_copy(myval.at[pl.ds(0, WPT)], val_hbm.at[pl.ds(dst0, WPT)])

    with jax.named_scope("tk_gather"):
      pltpu.async_copy(x_hbm.at[myrid.at[pl.ds(0, WPT)]], rows_v, sem).wait()
      pltpu.sync_copy(
          rows_v, sel_hbm.at[pl.ds((batch * SLOTS + slot) * WPT, WPT)])

  return _topk


def _make_gather(B, D, K, KP):
  RPT = (B * K) // (NC * NS)

  @functools.partial(
      pl.kernel,
      out_type=jax.ShapeDtypeStruct((B * K, D), jnp.float32),
      mesh=_sc_mesh(),
      scratch_types=[
          pltpu.VMEM((RPT,), jnp.int32),
          pltpu.VMEM((RPT, D), jnp.float32),
          pltpu.SemaphoreType.DMA,
      ],
  )
  def _gather(rid_hbm, x_hbm, sel_hbm, idx_v, rows_v, sem):
    c = lax.axis_index("c")
    s = lax.axis_index("s")
    t = c * NS + s
    batch = t // SLOTS
    seg = t % SLOTS
    pltpu.sync_copy(rid_hbm.at[pl.ds(batch * KP + seg * RPT, RPT)], idx_v)
    pltpu.async_copy(x_hbm.at[idx_v], rows_v, sem).wait()
    pltpu.sync_copy(rows_v, sel_hbm.at[pl.ds(t * RPT, RPT)])

  return _gather


def _make_scatter(B, D, K, KP):
  RPT = (B * K) // (NC * NS)

  @functools.partial(
      pl.kernel,
      out_type=(),
      mesh=_sc_mesh(),
      scratch_types=[
          pltpu.VMEM((RPT,), jnp.int32),
          pltpu.VMEM((RPT, D), jnp.float32),
          pltpu.SemaphoreType.DMA,
      ],
  )
  def _scatter(new_hbm, rid_hbm, out_hbm, idx_v, rows_v, sem):
    c = lax.axis_index("c")
    s = lax.axis_index("s")
    t = c * NS + s
    batch = t // SLOTS
    seg = t % SLOTS
    pltpu.sync_copy(rid_hbm.at[pl.ds(batch * KP + seg * RPT, RPT)], idx_v)
    pltpu.sync_copy(new_hbm.at[pl.ds(t * RPT, RPT)], rows_v)
    pltpu.async_copy(rows_v, out_hbm.at[idx_v], sem).wait()

  return _scatter


def kernel(x, w_router, W_layer, b_layer):
  B, T, D = x.shape
  K = max(1, int(T * 0.125))
  KP = K + 128
  R = B * T

  RB = 1024
  x2d_in = x.reshape(R, D)
  out2, scores2 = pl.pallas_call(
      _stage1_scores_copy,
      out_shape=[
          jax.ShapeDtypeStruct((R, D), jnp.float32),
          jax.ShapeDtypeStruct((R, 1), jnp.float32),
      ],
      grid=(R // RB,),
      in_specs=[
          pl.BlockSpec((D, 1), lambda i: (0, 0)),
          pl.BlockSpec((RB, D), lambda i: (i, 0)),
      ],
      out_specs=[
          pl.BlockSpec((RB, D), lambda i: (i, 0)),
          pl.BlockSpec((RB, 1), lambda i: (i, 0)),
      ],
  )(w_router.reshape(D, 1), x2d_in)
  scores_flat = scores2.reshape(R)
  out3 = out2

  x2d = x.reshape(R, D)
  rid_pad, val_pad, sel = _make_topk(B, T, D, K, KP)(scores_flat, x2d)

  vals2 = val_pad.reshape(B, KP)[:, :K].reshape(B * K, 1)
  RBM = 512
  newrows = pl.pallas_call(
      _stage4_layer,
      out_shape=jax.ShapeDtypeStruct((B * K, D), jnp.float32),
      grid=((B * K) // RBM,),
      in_specs=[
          pl.BlockSpec((RBM, D), lambda i: (i, 0)),
          pl.BlockSpec((D, D), lambda i: (0, 0)),
          pl.BlockSpec((1, D), lambda i: (0, 0)),
          pl.BlockSpec((RBM, 1), lambda i: (i, 0)),
      ],
      out_specs=pl.BlockSpec((RBM, D), lambda i: (i, 0)),
  )(sel, W_layer, b_layer.reshape(1, D), vals2)

  out_ref = jax.new_ref(out3.reshape(R, D))
  _make_scatter(B, D, K, KP)(newrows, rid_pad, out_ref)

  return jax.freeze(out_ref).reshape(B, T, D)

# --- scband reference (transcript-rebuilt; emitter-appended) ---
"""Pipeline reference for scband-token-router-mo-d-48576080118319 (READ-ONLY COPY).

The authoritative reference and input builder live on the scoring server;
editing this copy changes nothing except your own understanding.
"""

import jax, jax.numpy as jnp
import numpy as np

B, T, D = 4, 8192, 768
CAPACITY_FACTOR = 0.125

def setup_inputs(seed: int = 0) -> dict:
    key = jax.random.key(seed)
    k1, k2, k3 = jax.random.split(key, 3)
    x = jax.random.normal(k1, (B, T, D), dtype=jnp.float32)
    w_router = jax.random.normal(k2, (D,), dtype=jnp.float32) * 0.02
    W_layer = jax.random.normal(k3, (D, D), dtype=jnp.float32) * 0.02
    b_layer = jnp.zeros((D,), dtype=jnp.float32)
    return {"x": x, "w_router": w_router, "W_layer": W_layer, "b_layer": b_layer}

def reference(x, w_router, W_layer, b_layer):
    b, t, d = x.shape
    k = max(1, int(t * CAPACITY_FACTOR))
    # router: nn.Linear(d_model, 1, bias=False) then squeeze(-1)
    scores = jnp.einsum('btd,d->bt', x, w_router)
    topk_vals, topk_idx = jax.lax.top_k(scores, k)
    # gather selected tokens
    selected = jnp.take_along_axis(x, topk_idx[:, :, None], axis=1)
    # the per-layer transform (stand-in for `layer`): dense linear
    processed = selected @ W_layer + b_layer
    weights = jax.nn.sigmoid(topk_vals)[:, :, None]
    delta = processed * weights - selected * weights
    # scatter_add back into residual stream
    batch_idx = jnp.broadcast_to(jnp.arange(b)[:, None], (b, k))
    out = x.at[batch_idx, topk_idx].add(delta)
    return out

if __name__ == "__main__":
    import jax
    _d = setup_inputs()
    print(jax.jit(kernel)(*tuple(_d.values())))

</pallas_src>

<mosaic_0001>
#map = affine_map<(d0, d1) -> (0, 0)>
#map1 = affine_map<(d0, d1) -> (0)>
module attributes {stable_mosaic.version = 14 : i64} {
  func.func @new_body(%arg0: i32, %arg1: i32, %arg2: memref<4096x768xf32, #tpu.memory_space<hbm>>, %arg3: memref<4608xi32, #tpu.memory_space<hbm>>, %arg4: memref<32768x768xf32, #tpu.memory_space<hbm>>, %arg5: memref<32768x768xf32, #tpu.memory_space<hbm>>, %arg6: memref<128xi32, #tpu.memory_space<vmem>>, %arg7: memref<128x768xf32, #tpu.memory_space<vmem>>, %arg8: memref<!tpu.dma_semaphore, #tpu.memory_space<semaphore_mem>>) attributes {dimension_semantics = [#tpu.dimension_semantics<core_parallel>, #tpu.dimension_semantics<subcore_parallel>], iteration_bounds = array<i64: 2, 16>, scalar_prefetch = 0 : i64, scratch_operands = 3 : i64, tpu.core_type = #tpu.core_type<sc_vector_subcore>, window_params = [{transform_indices = #map}, {transform_indices = #map1}, {transform_indices = #map}, {transform_indices = #map}]} {
    %mul3A = arith.constant 16 : i32
    %mul3A_0 = arith.muli %arg0, %mul3A : i32
    %add3A = arith.addi %mul3A_0, %arg1 : i32
    %jit3A = arith.constant 8 : i32
    %div3A = arith.divsi %add3A, %jit3A : i32
    %sign3A = arith.constant 0 : i32
    %sign3A_1 = arith.cmpi sgt, %add3A, %sign3A : i32
    %sign3A_2 = arith.extui %sign3A_1 : i1 to i32
    %sign3A_3 = arith.constant 0 : i32
    %sign3A_4 = arith.cmpi slt, %add3A, %sign3A_3 : i32
    %sign3A_5 = arith.extui %sign3A_4 : i1 to i32
    %sign3A_6 = arith.subi %sign3A_2, %sign3A_5 : i32
    %sign3A_7 = arith.constant 0 : i32
    %sign3A_8 = arith.cmpi sgt, %jit3A, %sign3A_7 : i32
    %sign3A_9 = arith.extui %sign3A_8 : i1 to i32
    %sign3A_10 = arith.constant 0 : i32
    %sign3A_11 = arith.cmpi slt, %jit3A, %sign3A_10 : i32
    %sign3A_12 = arith.extui %sign3A_11 : i1 to i32
    %sign3A_13 = arith.subi %sign3A_9, %sign3A_12 : i32
    %ne3A = arith.cmpi ne, %sign3A_6, %sign3A_13 : i32
    %rem3A = arith.remsi %add3A, %jit3A : i32
    %ne3A_14 = arith.constant 0 : i32
    %ne3A_15 = arith.cmpi ne, %rem3A, %ne3A_14 : i32
    %and3A = arith.andi %ne3A, %ne3A_15 : i1
    %sub3A = arith.constant 1 : i32
    %sub3A_16 = arith.subi %div3A, %sub3A : i32
    %select_n3A = arith.select %and3A, %sub3A_16, %div3A : i32
    %jit3A_17 = arith.constant 8 : i32
    %eq3A = arith.constant 0 : i32
    %eq3A_18 = arith.cmpi eq, %jit3A_17, %eq3A : i32
    %jit3A_19 = arith.constant 1 : i32
    %select_n3A_20 = arith.select %eq3A_18, %jit3A_19, %jit3A_17 : i32
    %rem3A_21 = arith.remsi %add3A, %select_n3A_20 : i32
    %ne3A_22 = arith.constant 0 : i32
    %ne3A_23 = arith.cmpi ne, %rem3A_21, %ne3A_22 : i32
    %lt3A = arith.constant 0 : i32
    %lt3A_24 = arith.cmpi slt, %rem3A_21, %lt3A : i32
    %lt3A_25 = arith.constant 0 : i32
    %lt3A_26 = arith.cmpi slt, %select_n3A_20, %lt3A_25 : i32
    %ne3A_27 = arith.xori %lt3A_24, %lt3A_26 : i1
    %and3A_28 = arith.andi %ne3A_27, %ne3A_23 : i1
    %add3A_29 = arith.addi %rem3A_21, %select_n3A_20 : i32
    %select_n3A_30 = arith.select %and3A_28, %add3A_29, %rem3A_21 : i32
    %mul3A_31 = arith.constant 1152 : i32
    %mul3A_32 = arith.muli %select_n3A, %mul3A_31 : i32
    %mul3A_33 = arith.constant 128 : i32
    %mul3A_34 = arith.muli %select_n3A_30, %mul3A_33 : i32
    %add3A_35 = arith.addi %mul3A_32, %mul3A_34 : i32
    "tpu.region"() ({
      %run_scoped3A = tpu.sem_alloc : memref<!tpu.dma_semaphore, #tpu.memory_space<semaphore_mem>>
      %dma_start3A_42 = tpu.memref_slice %arg3[%add3A_35] : memref<4608xi32, #tpu.memory_space<hbm>> -> memref<128xi32, #tpu.memory_space<hbm>>
      %dma_start3A_43 = tpu.memref_slice %arg3[%add3A_35] : memref<4608xi32, #tpu.memory_space<hbm>> -> memref<128xi32, #tpu.memory_space<hbm>>
      tpu.enqueue_dma source(%dma_start3A_43 : memref<128xi32, #tpu.memory_space<hbm>>) target(%arg6 : memref<128xi32, #tpu.memory_space<vmem>>) target_semaphore(%run_scoped3A : memref<!tpu.dma_semaphore, #tpu.memory_space<semaphore_mem>>)
      %dma_wait3A_44 = tpu.memref_slice %arg3[%add3A_35] : memref<4608xi32, #tpu.memory_space<hbm>> -> memref<128xi32, #tpu.memory_space<hbm>>
      %dma_wait3A_45 = tpu.memref_slice %arg3[%add3A_35] : memref<4608xi32, #tpu.memory_space<hbm>> -> memref<128xi32, #tpu.memory_space<hbm>>
      tpu.wait_dma2 semaphore(%run_scoped3A : memref<!tpu.dma_semaphore, #tpu.memory_space<semaphore_mem>>) src(%dma_wait3A_45 : memref<128xi32, #tpu.memory_space<hbm>>) dst(%arg6 : memref<128xi32, #tpu.memory_space<vmem>>)
      tpu.yield
    }) : () -> ()
    %mul3A_36 = arith.constant 128 : i32
    %mul3A_37 = arith.muli %add3A, %mul3A_36 : i32
    "tpu.region"() ({
      %run_scoped3A = tpu.sem_alloc : memref<!tpu.dma_semaphore, #tpu.memory_space<semaphore_mem>>
      %dma_start3A_42 = arith.constant 0 : i32
      %dma_start3A_43 = tpu.memref_slice %arg2[%mul3A_37, %dma_start3A_42] : memref<4096x768xf32, #tpu.memory_space<hbm>> -> memref<128x768xf32, #tpu.memory_space<hbm>>
      %dma_start3A_44 = arith.constant 0 : i32
      %dma_start3A_45 = tpu.memref_slice %arg2[%mul3A_37, %dma_start3A_44] : memref<4096x768xf32, #tpu.memory_space<hbm>> -> memref<128x768xf32, #tpu.memory_space<hbm>>
      tpu.enqueue_dma source(%dma_start3A_45 : memref<128x768xf32, #tpu.memory_space<hbm>>) target(%arg7 : memref<128x768xf32, #tpu.memory_space<vmem>>) target_semaphore(%run_scoped3A : memref<!tpu.dma_semaphore, #tpu.memory_space<semaphore_mem>>)
      %dma_wait3A_46 = arith.constant 0 : i32
      %dma_wait3A_47 = tpu.memref_slice %arg2[%mul3A_37, %dma_wait3A_46] : memref<4096x768xf32, #tpu.memory_space<hbm>> -> memref<128x768xf32, #tpu.memory_space<hbm>>
      %dma_wait3A_48 = arith.constant 0 : i32
      %dma_wait3A_49 = tpu.memref_slice %arg2[%mul3A_37, %dma_wait3A_48] : memref<4096x768xf32, #tpu.memory_space<hbm>> -> memref<128x768xf32, #tpu.memory_space<hbm>>
      tpu.wait_dma2 semaphore(%run_scoped3A : memref<!tpu.dma_semaphore, #tpu.memory_space<semaphore_mem>>) src(%dma_wait3A_49 : memref<128x768xf32, #tpu.memory_space<hbm>>) dst(%arg7 : memref<128x768xf32, #tpu.memory_space<vmem>>)
      tpu.yield
    }) : () -> ()
    %dma_start3A = arith.constant 0 : i32
    %dma_start3A_38 = arith.constant 0 : i32
    %dma_start3A_39 = tpu.memref_slice %arg4[%dma_start3A, %dma_start3A_38] : memref<32768x768xf32, #tpu.memory_space<hbm>> -> memref<32768x768xf32, #tpu.memory_space<hbm>>
    tpu.enqueue_indirect_dma source(%arg7 : memref<128x768xf32, #tpu.memory_space<vmem>>) target(%dma_start3A_39 : memref<32768x768xf32, #tpu.memory_space<hbm>>) offsets(%arg6 : memref<128xi32, #tpu.memory_space<vmem>>) semaphore(%arg8 : memref<!tpu.dma_semaphore, #tpu.memory_space<semaphore_mem>>)
    %dma_wait3A = arith.constant 0 : i32
    %dma_wait3A_40 = arith.constant 0 : i32
    %dma_wait3A_41 = tpu.memref_slice %arg4[%dma_wait3A, %dma_wait3A_40] : memref<32768x768xf32, #tpu.memory_space<hbm>> -> memref<32768x768xf32, #tpu.memory_space<hbm>>
    tpu.wait_indirect_dma semaphore(%arg8 : memref<!tpu.dma_semaphore, #tpu.memory_space<semaphore_mem>>) src(%arg7 : memref<128x768xf32, #tpu.memory_space<vmem>>) dst(%dma_wait3A_41 : memref<32768x768xf32, #tpu.memory_space<hbm>>)
    return
  }
}

#map = affine_map<(d0, d1) -> (0)>
#map1 = affine_map<(d0, d1) -> (0, 0)>
module attributes {stable_mosaic.version = 14 : i64} {
  func.func @_topk(%arg0: i32, %arg1: i32, %arg2: memref<32768xf32, #tpu.memory_space<hbm>>, %arg3: memref<32768x768xf32, #tpu.memory_space<hbm>>, %arg4: memref<4608xi32, #tpu.memory_space<hbm>>, %arg5: memref<4608xf32, #tpu.memory_space<hbm>>, %arg6: memref<4096x768xf32, #tpu.memory_space<hbm>>, %arg7: memref<8192xf32, #tpu.memory_space<vmem>>, %arg8: memref<8192xi32, #tpu.memory_space<vmem>>, %arg9: memref<8256xi32, #tpu.memory_space<vmem>>, %arg10: memref<256xi32, #tpu.memory_space<vmem>>, %arg11: memref<144xi32, #tpu.memory_space<vmem>>, %arg12: memref<144xf32, #tpu.memory_space<vmem>>, %arg13: memref<128x768xf32, #tpu.memory_space<vmem>>, %arg14: memref<!tpu.dma_semaphore, #tpu.memory_space<semaphore_mem>>) attributes {dimension_semantics = [#tpu.dimension_semantics<core_parallel>, #tpu.dimension_semantics<subcore_parallel>], iteration_bounds = array<i64: 2, 16>, scalar_prefetch = 0 : i64, scratch_operands = 8 : i64, tpu.core_type = #tpu.core_type<sc_vector_subcore>, window_params = [{transform_indices = #map}, {transform_indices = #map1}, {transform_indices = #map}, {transform_indices = #map}, {transform_indices = #map1}]} {
    %jit3A = arith.constant 8 : i32
    %div3A = arith.divsi %arg1, %jit3A : i32
    %sign3A = arith.constant 0 : i32
    %sign3A_0 = arith.cmpi sgt, %arg1, %sign3A : i32
    %sign3A_1 = arith.extui %sign3A_0 : i1 to i32
    %sign3A_2 = arith.constant 0 : i32
    %sign3A_3 = arith.cmpi slt, %arg1, %sign3A_2 : i32
    %sign3A_4 = arith.extui %sign3A_3 : i1 to i32
    %sign3A_5 = arith.subi %sign3A_1, %sign3A_4 : i32
    %sign3A_6 = arith.constant 0 : i32
    %sign3A_7 = arith.cmpi sgt, %jit3A, %sign3A_6 : i32
    %sign3A_8 = arith.extui %sign3A_7 : i1 to i32
    %sign3A_9 = arith.constant 0 : i32
    %sign3A_10 = arith.cmpi slt, %jit3A, %sign3A_9 : i32
    %sign3A_11 = arith.extui %sign3A_10 : i1 to i32
    %sign3A_12 = arith.subi %sign3A_8, %sign3A_11 : i32
    %ne3A = arith.cmpi ne, %sign3A_5, %sign3A_12 : i32
    %rem3A = arith.remsi %arg1, %jit3A : i32
    %ne3A_13 = arith.constant 0 : i32
    %ne3A_14 = arith.cmpi ne, %rem3A, %ne3A_13 : i32
    %and3A = arith.andi %ne3A, %ne3A_14 : i1
    %sub3A = arith.constant 1 : i32
    %sub3A_15 = arith.subi %div3A, %sub3A : i32
    %select_n3A = arith.select %and3A, %sub3A_15, %div3A : i32
    %jit3A_16 = arith.constant 8 : i32
    %eq3A = arith.constant 0 : i32
    %eq3A_17 = arith.cmpi eq, %jit3A_16, %eq3A : i32
    %jit3A_18 = arith.constant 1 : i32
    %select_n3A_19 = arith.select %eq3A_17, %jit3A_18, %jit3A_16 : i32
    %rem3A_20 = arith.remsi %arg1, %select_n3A_19 : i32
    %ne3A_21 = arith.constant 0 : i32
    %ne3A_22 = arith.cmpi ne, %rem3A_20, %ne3A_21 : i32
    %lt3A = arith.constant 0 : i32
    %lt3A_23 = arith.cmpi slt, %rem3A_20, %lt3A : i32
    %lt3A_24 = arith.constant 0 : i32
    %lt3A_25 = arith.cmpi slt, %select_n3A_19, %lt3A_24 : i32
    %ne3A_26 = arith.xori %lt3A_23, %lt3A_25 : i1
    %and3A_27 = arith.andi %ne3A_26, %ne3A_22 : i1
    %add3A = arith.addi %rem3A_20, %select_n3A_19 : i32
    %select_n3A_28 = arith.select %and3A_27, %add3A, %rem3A_20 : i32
    %mul3A = arith.constant 2 : i32
    %mul3A_29 = arith.muli %arg0, %mul3A : i32
    %add3A_30 = arith.addi %mul3A_29, %select_n3A : i32
    %mul3A_31 = arith.constant 8192 : i32
    %mul3A_32 = arith.muli %add3A_30, %mul3A_31 : i32
    %mul3A_33 = arith.constant 1024 : i32
    %mul3A_34 = arith.muli %select_n3A_28, %mul3A_33 : i32
    %add3A_35 = arith.addi %mul3A_32, %mul3A_34 : i32
    "tpu.trace_start"() <{level = 10 : i32, message = "tk_load"}> : () -> ()
    %mul3A_36 = arith.constant 8192 : i32
    %mul3A_37 = arith.muli %add3A_30, %mul3A_36 : i32
    "tpu.region"() ({
      %run_scoped3A = tpu.sem_alloc : memref<!tpu.dma_semaphore, #tpu.memory_space<semaphore_mem>>
      %dma_start3A_174 = tpu.memref_slice %arg2[%mul3A_37] : memref<32768xf32, #tpu.memory_space<hbm>> -> memref<8192xf32, #tpu.memory_space<hbm>>
      %dma_start3A_175 = tpu.memref_slice %arg2[%mul3A_37] : memref<32768xf32, #tpu.memory_space<hbm>> -> memref<8192xf32, #tpu.memory_space<hbm>>
      tpu.enqueue_dma source(%dma_start3A_175 : memref<8192xf32, #tpu.memory_space<hbm>>) target(%arg7 : memref<8192xf32, #tpu.memory_space<vmem>>) target_semaphore(%run_scoped3A : memref<!tpu.dma_semaphore, #tpu.memory_space<semaphore_mem>>)
      %dma_wait3A_176 = tpu.memref_slice %arg2[%mul3A_37] : memref<32768xf32, #tpu.memory_space<hbm>> -> memref<8192xf32, #tpu.memory_space<hbm>>
      %dma_wait3A_177 = tpu.memref_slice %arg2[%mul3A_37] : memref<32768xf32, #tpu.memory_space<hbm>> -> memref<8192xf32, #tpu.memory_space<hbm>>
      tpu.wait_dma2 semaphore(%run_scoped3A : memref<!tpu.dma_semaphore, #tpu.memory_space<semaphore_mem>>) src(%dma_wait3A_177 : memref<8192xf32, #tpu.memory_space<hbm>>) dst(%arg7 : memref<8192xf32, #tpu.memory_space<vmem>>)
      tpu.yield
    }) : () -> ()
    "tpu.trace_stop"() : () -> ()
    %iota3A = tpu.iota {dimensions = array<i32: 0>} : vector<16xi32>
    %broadcast_in_dim3A = arith.constant 0 : i32
    %broadcast_in_dim3A_38 = vector.broadcast %broadcast_in_dim3A : i32 to vector<16xi32>
    %broadcast_in_dim3A_39 = arith.constant 1 : i32
    %broadcast_in_dim3A_40 = vector.broadcast %broadcast_in_dim3A_39 : i32 to vector<16xi32>
    "tpu.trace_start"() <{level = 10 : i32, message = "tk_keys"}> : () -> ()
    %scan3A = arith.constant 0 : i32
    %scan3A_41 = arith.constant 0 : i32
    %scan3A_42 = arith.constant 512 : i32
    %scan3A_43 = arith.addi %scan3A_41, %scan3A_42 : i32
    %scan3A_44 = arith.constant 4 : i32
    %scan3A_45 = scf.for %scan3A_174 = %scan3A_41 to %scan3A_43 step %scan3A_44 iter_args(%scan3A_175 = %scan3A) -> (i32)  : i32 {
      %mul3A_176 = arith.constant 16 : i32
      %mul3A_177 = arith.muli %scan3A_174, %mul3A_176 : i32
      %get3A = arith.index_cast %mul3A_177 : i32 to index
      %get3A_178 = tpu.vector_load %arg7[%get3A] {strides = array<i32>} : memref<8192xf32, #tpu.memory_space<vmem>>, vector<16xf32>,
      %bitcast3A = vector.bitcast %get3A_178 : vector<16xf32> to vector<16xi32>
      %ge3A = arith.constant -2147483648 : i32
      %ge3A_179 = vector.broadcast %ge3A : i32 to vector<16xi32>
      %ge3A_180 = arith.cmpi uge, %bitcast3A, %ge3A_179 : vector<16xi32>
      %not3A = arith.constant dense<-1> : vector<16xi32>
      %not3A_181 = arith.xori %bitcast3A, %not3A : vector<16xi32>
      %or3A = arith.constant -2147483648 : i32
      %or3A_182 = vector.broadcast %or3A : i32 to vector<16xi32>
      %or3A_183 = arith.ori %bitcast3A, %or3A_182 : vector<16xi32>
      %select_n3A_184 = arith.select %ge3A_180, %not3A_181, %or3A_183 : vector<16xi1>, vector<16xi32>
      %mul3A_185 = arith.constant 16 : i32
      %mul3A_186 = arith.muli %scan3A_174, %mul3A_185 : i32
      %swap3A_187 = arith.index_cast %mul3A_186 : i32 to index
      %swap3A_188 = tpu.vector_load %arg8[%swap3A_187] {strides = array<i32>} : memref<8192xi32, #tpu.memory_space<vmem>>, vector<16xi32>,
      tpu.vector_store %arg8[%swap3A_187], %select_n3A_184 {strides = array<i32>} : memref<8192xi32, #tpu.memory_space<vmem>>, vector<16xi32>,
      %scan3A_189 = arith.constant 0 : i32
      %scan3A_190 = arith.constant 1 : i32
      %scan3A_191 = arith.addi %scan3A_174, %scan3A_190 : i32
      %mul3A_192 = arith.constant 16 : i32
      %mul3A_193 = arith.muli %scan3A_191, %mul3A_192 : i32
      %get3A_194 = arith.index_cast %mul3A_193 : i32 to index
      %get3A_195 = tpu.vector_load %arg7[%get3A_194] {strides = array<i32>} : memref<8192xf32, #tpu.memory_space<vmem>>, vector<16xf32>,
      %bitcast3A_196 = vector.bitcast %get3A_195 : vector<16xf32> to vector<16xi32>
      %ge3A_197 = arith.constant -2147483648 : i32
      %ge3A_198 = vector.broadcast %ge3A_197 : i32 to vector<16xi32>
      %ge3A_199 = arith.cmpi uge, %bitcast3A_196, %ge3A_198 : vector<16xi32>
      %not3A_200 = arith.constant dense<-1> : vector<16xi32>
      %not3A_201 = arith.xori %bitcast3A_196, %not3A_200 : vector<16xi32>
      %or3A_202 = arith.constant -2147483648 : i32
      %or3A_203 = vector.broadcast %or3A_202 : i32 to vector<16xi32>
      %or3A_204 = arith.ori %bitcast3A_196, %or3A_203 : vector<16xi32>
      %select_n3A_205 = arith.select %ge3A_199, %not3A_201, %or3A_204 : vector<16xi1>, vector<16xi32>
      %mul3A_206 = arith.constant 16 : i32
      %mul3A_207 = arith.muli %scan3A_191, %mul3A_206 : i32
      %swap3A_208 = arith.index_cast %mul3A_207 : i32 to index
      %swap3A_209 = tpu.vector_load %arg8[%swap3A_208] {strides = array<i32>} : memref<8192xi32, #tpu.memory_space<vmem>>, vector<16xi32>,
      tpu.vector_store %arg8[%swap3A_208], %select_n3A_205 {strides = array<i32>} : memref<8192xi32, #tpu.memory_space<vmem>>, vector<16xi32>,
      %scan3A_210 = arith.constant 0 : i32
      %scan3A_211 = arith.constant 2 : i32
      %scan3A_212 = arith.addi %scan3A_174, %scan3A_211 : i32
      %mul3A_213 = arith.constant 16 : i32
      %mul3A_214 = arith.muli %scan3A_212, %mul3A_213 : i32
      %get3A_215 = arith.index_cast %mul3A_214 : i32 to index
      %get3A_216 = tpu.vector_load %arg7[%get3A_215] {strides = array<i32>} : memref<8192xf32, #tpu.memory_space<vmem>>, vector<16xf32>,
      %bitcast3A_217 = vector.bitcast %get3A_216 : vector<16xf32> to vector<16xi32>
      %ge3A_218 = arith.constant -2147483648 : i32
      %ge3A_219 = vector.broadcast %ge3A_218 : i32 to vector<16xi32>
      %ge3A_220 = arith.cmpi uge, %bitcast3A_217, %ge3A_219 : vector<16xi32>
      %not3A_221 = arith.constant dense<-1> : vector<16xi32>
      %not3A_222 = arith.xori %bitcast3A_217, %not3A_221 : vector<16xi32>
      %or3A_223 = arith.constant -2147483648 : i32
      %or3A_224 = vector.broadcast %or3A_223 : i32 to vector<16xi32>
      %or3A_225 = arith.ori %bitcast3A_217, %or3A_224 : vector<16xi32>
      %select_n3A_226 = arith.select %ge3A_220, %not3A_222, %or3A_225 : vector<16xi1>, vector<16xi32>
      %mul3A_227 = arith.constant 16 : i32
      %mul3A_228 = arith.muli %scan3A_212, %mul3A_227 : i32
      %swap3A_229 = arith.index_cast %mul3A_228 : i32 to index
      %swap3A_230 = tpu.vector_load %arg8[%swap3A_229] {strides = array<i32>} : memref<8192xi32, #tpu.memory_space<vmem>>, vector<16xi32>,
      tpu.vector_store %arg8[%swap3A_229], %select_n3A_226 {strides = array<i32>} : memref<8192xi32, #tpu.memory_space<vmem>>, vector<16xi32>,
      %scan3A_231 = arith.constant 0 : i32
      %scan3A_232 = arith.constant 3 : i32
      %scan3A_233 = arith.addi %scan3A_174, %scan3A_232 : i32
      %mul3A_234 = arith.constant 16 : i32
      %mul3A_235 = arith.muli %scan3A_233, %mul3A_234 : i32
      %get3A_236 = arith.index_cast %mul3A_235 : i32 to index
      %get3A_237 = tpu.vector_load %arg7[%get3A_236] {strides = array<i32>} : memref<8192xf32, #tpu.memory_space<vmem>>, vector<16xf32>,
      %bitcast3A_238 = vector.bitcast %get3A_237 : vector<16xf32> to vector<16xi32>
      %ge3A_239 = arith.constant -2147483648 : i32
      %ge3A_240 = vector.broadcast %ge3A_239 : i32 to vector<16xi32>
      %ge3A_241 = arith.cmpi uge, %bitcast3A_238, %ge3A_240 : vector<16xi32>
      %not3A_242 = arith.constant dense<-1> : vector<16xi32>
      %not3A_243 = arith.xori %bitcast3A_238, %not3A_242 : vector<16xi32>
      %or3A_244 = arith.constant -2147483648 : i32
      %or3A_245 = vector.broadcast %or3A_244 : i32 to vector<16xi32>
      %or3A_246 = arith.ori %bitcast3A_238, %or3A_245 : vector<16xi32>
      %select_n3A_247 = arith.select %ge3A_241, %not3A_243, %or3A_246 : vector<16xi1>, vector<16xi32>
      %mul3A_248 = arith.constant 16 : i32
      %mul3A_249 = arith.muli %scan3A_233, %mul3A_248 : i32
      %swap3A_250 = arith.index_cast %mul3A_249 : i32 to index
      %swap3A_251 = tpu.vector_load %arg8[%swap3A_250] {strides = array<i32>} : memref<8192xi32, #tpu.memory_space<vmem>>, vector<16xi32>,
      tpu.vector_store %arg8[%swap3A_250], %select_n3A_247 {strides = array<i32>} : memref<8192xi32, #tpu.memory_space<vmem>>, vector<16xi32>,
      %scan3A_252 = arith.constant 0 : i32
      scf.yield %scan3A_252 : i32
    }
    %scan3A_46 = arith.constant 512 : i32
    "tpu.trace_stop"() : () -> ()
    %scan3A_47 = arith.constant 0 : i32
    %scan3A_48 = arith.constant 0 : i32
    %scan3A_49 = arith.constant 16 : i32
    %scan3A_50 = arith.addi %scan3A_48, %scan3A_49 : i32
    %scan3A_51 = arith.constant 1 : i32
    %scan3A_52 = scf.for %scan3A_174 = %scan3A_48 to %scan3A_50 step %scan3A_51 iter_args(%scan3A_175 = %scan3A_47) -> (i32)  : i32 {
      %mul3A_176 = arith.constant 16 : i32
      %mul3A_177 = arith.muli %scan3A_174, %mul3A_176 : i32
      %swap3A_178 = arith.index_cast %mul3A_177 : i32 to index
      %swap3A_179 = tpu.vector_load %arg10[%swap3A_178] {strides = array<i32>} : memref<256xi32, #tpu.memory_space<vmem>>, vector<16xi32>,
      tpu.vector_store %arg10[%swap3A_178], %broadcast_in_dim3A_38 {strides = array<i32>} : memref<256xi32, #tpu.memory_space<vmem>>, vector<16xi32>,
      %scan3A_180 = arith.constant 0 : i32
      scf.yield %scan3A_180 : i32
    }
    %scan3A_53 = arith.constant 16 : i32
    "tpu.trace_start"() <{level = 10 : i32, message = "tk_hist"}> : () -> ()
    %scan3A_54 = arith.constant 0 : i32
    %scan3A_55 = arith.constant 0 : i32
    %scan3A_56 = arith.constant 512 : i32
    %scan3A_57 = arith.addi %scan3A_55, %scan3A_56 : i32
    %scan3A_58 = arith.constant 4 : i32
    %scan3A_59 = scf.for %scan3A_174 = %scan3A_55 to %scan3A_57 step %scan3A_58 iter_args(%scan3A_175 = %scan3A_54) -> (i32)  : i32 {
      %mul3A_176 = arith.constant 16 : i32
      %mul3A_177 = arith.muli %scan3A_174, %mul3A_176 : i32
      %get3A = arith.index_cast %mul3A_177 : i32 to index
      %get3A_178 = tpu.vector_load %arg8[%get3A] {strides = array<i32>} : memref<8192xi32, #tpu.memory_space<vmem>>, vector<16xi32>,
      %shift_right_logical3A = arith.constant 24 : i32
      %shift_right_logical3A_179 = vector.broadcast %shift_right_logical3A : i32 to vector<16xi32>
      %shift_right_logical3A_180 = arith.shrui %get3A_178, %shift_right_logical3A_179 : vector<16xi32>
      tpu.vector_store_idx %arg10[%shift_right_logical3A_180], %broadcast_in_dim3A_40 {add = true} : memref<256xi32, #tpu.memory_space<vmem>>[vector<16xi32>], vector<16xi32>,
      %scan3A_181 = arith.constant 0 : i32
      %scan3A_182 = arith.constant 1 : i32
      %scan3A_183 = arith.addi %scan3A_174, %scan3A_182 : i32
      %mul3A_184 = arith.constant 16 : i32
      %mul3A_185 = arith.muli %scan3A_183, %mul3A_184 : i32
      %get3A_186 = arith.index_cast %mul3A_185 : i32 to index
      %get3A_187 = tpu.vector_load %arg8[%get3A_186] {strides = array<i32>} : memref<8192xi32, #tpu.memory_space<vmem>>, vector<16xi32>,
      %shift_right_logical3A_188 = arith.constant 24 : i32
      %shift_right_logical3A_189 = vector.broadcast %shift_right_logical3A_188 : i32 to vector<16xi32>
      %shift_right_logical3A_190 = arith.shrui %get3A_187, %shift_right_logical3A_189 : vector<16xi32>
      tpu.vector_store_idx %arg10[%shift_right_logical3A_190], %broadcast_in_dim3A_40 {add = true} : memref<256xi32, #tpu.memory_space<vmem>>[vector<16xi32>], vector<16xi32>,
      %scan3A_191 = arith.constant 0 : i32
      %scan3A_192 = arith.constant 2 : i32
      %scan3A_193 = arith.addi %scan3A_174, %scan3A_192 : i32
      %mul3A_194 = arith.constant 16 : i32
      %mul3A_195 = arith.muli %scan3A_193, %mul3A_194 : i32
      %get3A_196 = arith.index_cast %mul3A_195 : i32 to index
      %get3A_197 = tpu.vector_load %arg8[%get3A_196] {strides = array<i32>} : memref<8192xi32, #tpu.memory_space<vmem>>, vector<16xi32>,
      %shift_right_logical3A_198 = arith.constant 24 : i32
      %shift_right_logical3A_199 = vector.broadcast %shift_right_logical3A_198 : i32 to vector<16xi32>
      %shift_right_logical3A_200 = arith.shrui %get3A_197, %shift_right_logical3A_199 : vector<16xi32>
      tpu.vector_store_idx %arg10[%shift_right_logical3A_200], %broadcast_in_dim3A_40 {add = true} : memref<256xi32, #tpu.memory_space<vmem>>[vector<16xi32>], vector<16xi32>,
      %scan3A_201 = arith.constant 0 : i32
      %scan3A_202 = arith.constant 3 : i32
      %scan3A_203 = arith.addi %scan3A_174, %scan3A_202 : i32
      %mul3A_204 = arith.constant 16 : i32
      %mul3A_205 = arith.muli %scan3A_203, %mul3A_204 : i32
      %get3A_206 = arith.index_cast %mul3A_205 : i32 to index
      %get3A_207 = tpu.vector_load %arg8[%get3A_206] {strides = array<i32>} : memref<8192xi32, #tpu.memory_space<vmem>>, vector<16xi32>,
      %shift_right_logical3A_208 = arith.constant 24 : i32
      %shift_right_logical3A_209 = vector.broadcast %shift_right_logical3A_208 : i32 to vector<16xi32>
      %shift_right_logical3A_210 = arith.shrui %get3A_207, %shift_right_logical3A_209 : vector<16xi32>
      tpu.vector_store_idx %arg10[%shift_right_logical3A_210], %broadcast_in_dim3A_40 {add = true} : memref<256xi32, #tpu.memory_space<vmem>>[vector<16xi32>], vector<16xi32>,
      %scan3A_211 = arith.constant 0 : i32
      scf.yield %scan3A_211 : i32
    }
    %scan3A_60 = arith.constant 512 : i32
    "tpu.trace_stop"() : () -> ()
    "tpu.trace_start"() <{level = 10 : i32, message = "tk_bscan"}> : () -> ()
    %scan3A_61 = arith.constant 1024 : i32
    %scan3A_62 = arith.constant 0 : i32
    %scan3A_63 = arith.constant 0 : i32
    %scan3A_64 = arith.constant 0 : i32
    %scan3A_65 = arith.constant 0 : i32
    %scan3A_66 = arith.constant 16 : i32
    %scan3A_67 = arith.addi %scan3A_65, %scan3A_66 : i32
    %scan3A_68 = arith.constant 1 : i32
    %scan3A_69:3 = scf.for %scan3A_174 = %scan3A_65 to %scan3A_67 step %scan3A_68 iter_args(%scan3A_175 = %scan3A_62, %scan3A_176 = %scan3A_63, %scan3A_177 = %scan3A_64) -> (i32, i32, i32)  : i32 {
      %sub3A_178 = arith.constant 15 : i32
      %sub3A_179 = arith.subi %sub3A_178, %scan3A_174 : i32
      %mul3A_180 = arith.constant 16 : i32
      %mul3A_181 = arith.muli %sub3A_179, %mul3A_180 : i32
      %get3A = arith.index_cast %mul3A_181 : i32 to index
      %get3A_182 = tpu.vector_load %arg10[%get3A] {strides = array<i32>} : memref<256xi32, #tpu.memory_space<vmem>>, vector<16xi32>,
      %rev3A = arith.constant 15 : i32
      %rev3A_183 = vector.broadcast %rev3A : i32 to vector<16xi32>
      %rev3A_184 = tpu.iota {dimensions = array<i32: 0>} : vector<16xi32>
      %rev3A_185 = arith.subi %rev3A_183, %rev3A_184 : vector<16xi32>
      %rev3A_186 = tpu.dynamic_gather %get3A_182[%rev3A_185] in [0] : vector<16xi32>, vector<16xi32> -> vector<16xi32>
      %broadcast_in_dim3A_187 = arith.constant true
      %broadcast_in_dim3A_188 = vector.broadcast %broadcast_in_dim3A_187 : i1 to vector<16xi1>
      %masked_cumsum3A = tpu.scan <sum>, %rev3A_186 masked %broadcast_in_dim3A_188 : vector<16xi32>, vector<16xi1> -> vector<16xi32>
      %add3A_189 = vector.broadcast %scan3A_175 : i32 to vector<16xi32>
      %add3A_190 = arith.addi %add3A_189, %masked_cumsum3A : vector<16xi32>
      %sub3A_191 = arith.subi %add3A_190, %rev3A_186 : vector<16xi32>
      %lt3A_192 = vector.broadcast %scan3A_61 : i32 to vector<16xi32>
      %lt3A_193 = arith.cmpi slt, %sub3A_191, %lt3A_192 : vector<16xi32>
      %ge3A = vector.broadcast %scan3A_61 : i32 to vector<16xi32>
      %ge3A_194 = arith.cmpi sge, %add3A_190, %ge3A : vector<16xi32>
      %and3A_195 = arith.andi %lt3A_193, %ge3A_194 : vector<16xi1>
      %mul3A_196 = arith.constant 16 : i32
      %mul3A_197 = arith.muli %sub3A_179, %mul3A_196 : i32
      %add3A_198 = arith.constant 15 : i32
      %add3A_199 = arith.addi %mul3A_197, %add3A_198 : i32
      %sub3A_200 = vector.broadcast %add3A_199 : i32 to vector<16xi32>
      %sub3A_201 = arith.subi %sub3A_200, %iota3A : vector<16xi32>
      %broadcast_in_dim3A_202 = vector.broadcast %scan3A_176 : i32 to vector<16xi32>
      %select_n3A_203 = arith.select %and3A_195, %sub3A_201, %broadcast_in_dim3A_202 : vector<16xi1>, vector<16xi32>
      %reduce_max3A = arith.constant true
      %reduce_max3A_204 = vector.broadcast %reduce_max3A : i1 to vector<16xi1>
      %reduce_max3A_205 = arith.constant -2147483648 : i32
      %reduce_max3A_206 = vector.broadcast %reduce_max3A_205 : i32 to vector<16xi32>
      %reduce_max3A_207 = arith.xori %select_n3A_203, %reduce_max3A_206 : vector<16xi32>
      %reduce_max3A_208 = tpu.scan <max>, %reduce_max3A_207 masked %reduce_max3A_204 : vector<16xi32>, vector<16xi1> -> vector<16xi32>
      %reduce_max3A_209 = arith.xori %reduce_max3A_208, %reduce_max3A_206 : vector<16xi32>
      %reduce_max3A_210 = vector.extract %reduce_max3A_209[15] : i32 from vector<16xi32>
      %broadcast_in_dim3A_211 = vector.broadcast %scan3A_177 : i32 to vector<16xi32>
      %select_n3A_212 = arith.select %and3A_195, %sub3A_191, %broadcast_in_dim3A_211 : vector<16xi1>, vector<16xi32>
      %reduce_max3A_213 = arith.constant true
      %reduce_max3A_214 = vector.broadcast %reduce_max3A_213 : i1 to vector<16xi1>
      %reduce_max3A_215 = arith.constant -2147483648 : i32
      %reduce_max3A_216 = vector.broadcast %reduce_max3A_215 : i32 to vector<16xi32>
      %reduce_max3A_217 = arith.xori %select_n3A_212, %reduce_max3A_216 : vector<16xi32>
      %reduce_max3A_218 = tpu.scan <max>, %reduce_max3A_217 masked %reduce_max3A_214 : vector<16xi32>, vector<16xi1> -> vector<16xi32>
      %reduce_max3A_219 = arith.xori %reduce_max3A_218, %reduce_max3A_216 : vector<16xi32>
      %reduce_max3A_220 = vector.extract %reduce_max3A_219[15] : i32 from vector<16xi32>
      %reduce_max3A_221 = arith.constant true
      %reduce_max3A_222 = vector.broadcast %reduce_max3A_221 : i1 to vector<16xi1>
      %reduce_max3A_223 = arith.constant -2147483648 : i32
      %reduce_max3A_224 = vector.broadcast %reduce_max3A_223 : i32 to vector<16xi32>
      %reduce_max3A_225 = arith.xori %masked_cumsum3A, %reduce_max3A_224 : vector<16xi32>
      %reduce_max3A_226 = tpu.scan <max>, %reduce_max3A_225 masked %reduce_max3A_222 : vector<16xi32>, vector<16xi1> -> vector<16xi32>
      %reduce_max3A_227 = arith.xori %reduce_max3A_226, %reduce_max3A_224 : vector<16xi32>
      %reduce_max3A_228 = vector.extract %reduce_max3A_227[15] : i32 from vector<16xi32>
      %add3A_229 = arith.addi %scan3A_175, %reduce_max3A_228 : i32
      scf.yield %add3A_229, %reduce_max3A_210, %reduce_max3A_220 : i32, i32, i32
    }
    %scan3A_70 = arith.constant 16 : i32
    "tpu.trace_stop"() : () -> ()
    "tpu.trace_start"() <{level = 10 : i32, message = "tk_compact"}> : () -> ()
    %scan3A_71 = arith.constant 0 : i32
    %scan3A_72 = arith.constant 0 : i32
    %scan3A_73 = arith.constant 512 : i32
    %scan3A_74 = arith.addi %scan3A_72, %scan3A_73 : i32
    %scan3A_75 = arith.constant 4 : i32
    %scan3A_76 = scf.for %scan3A_174 = %scan3A_72 to %scan3A_74 step %scan3A_75 iter_args(%scan3A_175 = %scan3A_71) -> (i32)  : i32 {
      %mul3A_176 = arith.constant 16 : i32
      %mul3A_177 = arith.muli %scan3A_174, %mul3A_176 : i32
      %get3A = arith.index_cast %mul3A_177 : i32 to index
      %get3A_178 = tpu.vector_load %arg8[%get3A] {strides = array<i32>} : memref<8192xi32, #tpu.memory_space<vmem>>, vector<16xi32>,
      %shift_right_logical3A = arith.constant 24 : i32
      %shift_right_logical3A_179 = vector.broadcast %shift_right_logical3A : i32 to vector<16xi32>
      %shift_right_logical3A_180 = arith.shrui %get3A_178, %shift_right_logical3A_179 : vector<16xi32>
      %eq3A_181 = vector.broadcast %scan3A_69#1 : i32 to vector<16xi32>
      %eq3A_182 = arith.cmpi eq, %shift_right_logical3A_180, %eq3A_181 : vector<16xi32>
      %swap3A_183 = arith.index_cast %scan3A_175 : i32 to index
      %swap3A_184 = tpu.vector_load %arg9[%swap3A_183] masked %eq3A_182 {strides = array<i32>} : memref<8256xi32, #tpu.memory_space<vmem>>, vector<16xi32>, vector<16xi1>
      tpu.vector_store %arg9[%swap3A_183], %get3A_178 masked %eq3A_182 {strides = array<i32>} : memref<8256xi32, #tpu.memory_space<vmem>>, vector<16xi32>, vector<16xi1>
      %all_reduce_population_count3A = tpu.all_reduce %eq3A_182 {dim = 0 : i64, kind = #tpu.reduction_kind<sum>} : vector<16xi1> -> vector<16xi32>
      %reduce_max3A = arith.constant true
      %reduce_max3A_185 = vector.broadcast %reduce_max3A : i1 to vector<16xi1>
      %reduce_max3A_186 = arith.constant -2147483648 : i32
      %reduce_max3A_187 = vector.broadcast %reduce_max3A_186 : i32 to vector<16xi32>
      %reduce_max3A_188 = arith.xori %all_reduce_population_count3A, %reduce_max3A_187 : vector<16xi32>
      %reduce_max3A_189 = tpu.scan <max>, %reduce_max3A_188 masked %reduce_max3A_185 : vector<16xi32>, vector<16xi1> -> vector<16xi32>
      %reduce_max3A_190 = arith.xori %reduce_max3A_189, %reduce_max3A_187 : vector<16xi32>
      %reduce_max3A_191 = vector.extract %reduce_max3A_190[15] : i32 from vector<16xi32>
      %add3A_192 = arith.addi %scan3A_175, %reduce_max3A_191 : i32
      %scan3A_193 = arith.constant 1 : i32
      %scan3A_194 = arith.addi %scan3A_174, %scan3A_193 : i32
      %mul3A_195 = arith.constant 16 : i32
      %mul3A_196 = arith.muli %scan3A_194, %mul3A_195 : i32
      %get3A_197 = arith.index_cast %mul3A_196 : i32 to index
      %get3A_198 = tpu.vector_load %arg8[%get3A_197] {strides = array<i32>} : memref<8192xi32, #tpu.memory_space<vmem>>, vector<16xi32>,
      %shift_right_logical3A_199 = arith.constant 24 : i32
      %shift_right_logical3A_200 = vector.broadcast %shift_right_logical3A_199 : i32 to vector<16xi32>
      %shift_right_logical3A_201 = arith.shrui %get3A_198, %shift_right_logical3A_200 : vector<16xi32>
      %eq3A_202 = vector.broadcast %scan3A_69#1 : i32 to vector<16xi32>
      %eq3A_203 = arith.cmpi eq, %shift_right_logical3A_201, %eq3A_202 : vector<16xi32>
      %swap3A_204 = arith.index_cast %add3A_192 : i32 to index
      %swap3A_205 = tpu.vector_load %arg9[%swap3A_204] masked %eq3A_203 {strides = array<i32>} : memref<8256xi32, #tpu.memory_space<vmem>>, vector<16xi32>, vector<16xi1>
      tpu.vector_store %arg9[%swap3A_204], %get3A_198 masked %eq3A_203 {strides = array<i32>} : memref<8256xi32, #tpu.memory_space<vmem>>, vector<16xi32>, vector<16xi1>
      %all_reduce_population_count3A_206 = tpu.all_reduce %eq3A_203 {dim = 0 : i64, kind = #tpu.reduction_kind<sum>} : vector<16xi1> -> vector<16xi32>
      %reduce_max3A_207 = arith.constant true
      %reduce_max3A_208 = vector.broadcast %reduce_max3A_207 : i1 to vector<16xi1>
      %reduce_max3A_209 = arith.constant -2147483648 : i32
      %reduce_max3A_210 = vector.broadcast %reduce_max3A_209 : i32 to vector<16xi32>
      %reduce_max3A_211 = arith.xori %all_reduce_population_count3A_206, %reduce_max3A_210 : vector<16xi32>
      %reduce_max3A_212 = tpu.scan <max>, %reduce_max3A_211 masked %reduce_max3A_208 : vector<16xi32>, vector<16xi1> -> vector<16xi32>
      %reduce_max3A_213 = arith.xori %reduce_max3A_212, %reduce_max3A_210 : vector<16xi32>
      %reduce_max3A_214 = vector.extract %reduce_max3A_213[15] : i32 from vector<16xi32>
      %add3A_215 = arith.addi %add3A_192, %reduce_max3A_214 : i32
      %scan3A_216 = arith.constant 2 : i32
      %scan3A_217 = arith.addi %scan3A_174, %scan3A_216 : i32
      %mul3A_218 = arith.constant 16 : i32
      %mul3A_219 = arith.muli %scan3A_217, %mul3A_218 : i32
      %get3A_220 = arith.index_cast %mul3A_219 : i32 to index
      %get3A_221 = tpu.vector_load %arg8[%get3A_220] {strides = array<i32>} : memref<8192xi32, #tpu.memory_space<vmem>>, vector<16xi32>,
      %shift_right_logical3A_222 = arith.constant 24 : i32
      %shift_right_logical3A_223 = vector.broadcast %shift_right_logical3A_222 : i32 to vector<16xi32>
      %shift_right_logical3A_224 = arith.shrui %get3A_221, %shift_right_logical3A_223 : vector<16xi32>
      %eq3A_225 = vector.broadcast %scan3A_69#1 : i32 to vector<16xi32>
      %eq3A_226 = arith.cmpi eq, %shift_right_logical3A_224, %eq3A_225 : vector<16xi32>
      %swap3A_227 = arith.index_cast %add3A_215 : i32 to index
      %swap3A_228 = tpu.vector_load %arg9[%swap3A_227] masked %eq3A_226 {strides = array<i32>} : memref<8256xi32, #tpu.memory_space<vmem>>, vector<16xi32>, vector<16xi1>
      tpu.vector_store %arg9[%swap3A_227], %get3A_221 masked %eq3A_226 {strides = array<i32>} : memref<8256xi32, #tpu.memory_space<vmem>>, vector<16xi32>, vector<16xi1>
      %all_reduce_population_count3A_229 = tpu.all_reduce %eq3A_226 {dim = 0 : i64, kind = #tpu.reduction_kind<sum>} : vector<16xi1> -> vector<16xi32>
      %reduce_max3A_230 = arith.constant true
      %reduce_max3A_231 = vector.broadcast %reduce_max3A_230 : i1 to vector<16xi1>
      %reduce_max3A_232 = arith.constant -2147483648 : i32
      %reduce_max3A_233 = vector.broadcast %reduce_max3A_232 : i32 to vector<16xi32>
      %reduce_max3A_234 = arith.xori %all_reduce_population_count3A_229, %reduce_max3A_233 : vector<16xi32>
      %reduce_max3A_235 = tpu.scan <max>, %reduce_max3A_234 masked %reduce_max3A_231 : vector<16xi32>, vector<16xi1> -> vector<16xi32>
      %reduce_max3A_236 = arith.xori %reduce_max3A_235, %reduce_max3A_233 : vector<16xi32>
      %reduce_max3A_237 = vector.extract %reduce_max3A_236[15] : i32 from vector<16xi32>
      %add3A_238 = arith.addi %add3A_215, %reduce_max3A_237 : i32
      %scan3A_239 = arith.constant 3 : i32
      %scan3A_240 = arith.addi %scan3A_174, %scan3A_239 : i32
      %mul3A_241 = arith.constant 16 : i32
      %mul3A_242 = arith.muli %scan3A_240, %mul3A_241 : i32
      %get3A_243 = arith.index_cast %mul3A_242 : i32 to index
      %get3A_244 = tpu.vector_load %arg8[%get3A_243] {strides = array<i32>} : memref<8192xi32, #tpu.memory_space<vmem>>, vector<16xi32>,
      %shift_right_logical3A_245 = arith.constant 24 : i32
      %shift_right_logical3A_246 = vector.broadcast %shift_right_logical3A_245 : i32 to vector<16xi32>
      %shift_right_logical3A_247 = arith.shrui %get3A_244, %shift_right_logical3A_246 : vector<16xi32>
      %eq3A_248 = vector.broadcast %scan3A_69#1 : i32 to vector<16xi32>
      %eq3A_249 = arith.cmpi eq, %shift_right_logical3A_247, %eq3A_248 : vector<16xi32>
      %swap3A_250 = arith.index_cast %add3A_238 : i32 to index
      %swap3A_251 = tpu.vector_load %arg9[%swap3A_250] masked %eq3A_249 {strides = array<i32>} : memref<8256xi32, #tpu.memory_space<vmem>>, vector<16xi32>, vector<16xi1>
      tpu.vector_store %arg9[%swap3A_250], %get3A_244 masked %eq3A_249 {strides = array<i32>} : memref<8256xi32, #tpu.memory_space<vmem>>, vector<16xi32>, vector<16xi1>
      %all_reduce_population_count3A_252 = tpu.all_reduce %eq3A_249 {dim = 0 : i64, kind = #tpu.reduction_kind<sum>} : vector<16xi1> -> vector<16xi32>
      %reduce_max3A_253 = arith.constant true
      %reduce_max3A_254 = vector.broadcast %reduce_max3A_253 : i1 to vector<16xi1>
      %reduce_max3A_255 = arith.constant -2147483648 : i32
      %reduce_max3A_256 = vector.broadcast %reduce_max3A_255 : i32 to vector<16xi32>
      %reduce_max3A_257 = arith.xori %all_reduce_population_count3A_252, %reduce_max3A_256 : vector<16xi32>
      %reduce_max3A_258 = tpu.scan <max>, %reduce_max3A_257 masked %reduce_max3A_254 : vector<16xi32>, vector<16xi1> -> vector<16xi32>
      %reduce_max3A_259 = arith.xori %reduce_max3A_258, %reduce_max3A_256 : vector<16xi32>
      %reduce_max3A_260 = vector.extract %reduce_max3A_259[15] : i32 from vector<16xi32>
      %add3A_261 = arith.addi %add3A_238, %reduce_max3A_260 : i32
      scf.yield %add3A_261 : i32
    }
    %scan3A_77 = arith.constant 512 : i32
    %broadcast_in_dim3A_78 = arith.constant 0 : i32
    "tpu.trace_stop"() : () -> ()
    %broadcast_in_dim3A_79 = vector.broadcast %broadcast_in_dim3A_78 : i32 to vector<16xi32>
    %swap3A = arith.index_cast %scan3A_76 : i32 to index
    %swap3A_80 = tpu.vector_load %arg9[%swap3A] {strides = array<i32>} : memref<8256xi32, #tpu.memory_space<vmem>>, vector<16xi32>,
    tpu.vector_store %arg9[%swap3A], %broadcast_in_dim3A_79 {strides = array<i32>} : memref<8256xi32, #tpu.memory_space<vmem>>, vector<16xi32>,
    %add3A_81 = arith.constant 16 : i32
    %add3A_82 = arith.addi %scan3A_76, %add3A_81 : i32
    %swap3A_83 = arith.index_cast %add3A_82 : i32 to index
    %swap3A_84 = tpu.vector_load %arg9[%swap3A_83] {strides = array<i32>} : memref<8256xi32, #tpu.memory_space<vmem>>, vector<16xi32>,
    tpu.vector_store %arg9[%swap3A_83], %broadcast_in_dim3A_79 {strides = array<i32>} : memref<8256xi32, #tpu.memory_space<vmem>>, vector<16xi32>,
    %add3A_85 = arith.constant 32 : i32
    %add3A_86 = arith.addi %scan3A_76, %add3A_85 : i32
    %swap3A_87 = arith.index_cast %add3A_86 : i32 to index
    %swap3A_88 = tpu.vector_load %arg9[%swap3A_87] {strides = array<i32>} : memref<8256xi32, #tpu.memory_space<vmem>>, vector<16xi32>,
    tpu.vector_store %arg9[%swap3A_87], %broadcast_in_dim3A_79 {strides = array<i32>} : memref<8256xi32, #tpu.memory_space<vmem>>, vector<16xi32>,
    %add3A_89 = arith.constant 48 : i32
    %add3A_90 = arith.addi %scan3A_76, %add3A_89 : i32
    %swap3A_91 = arith.index_cast %add3A_90 : i32 to index
    %swap3A_92 = tpu.vector_load %arg9[%swap3A_91] {strides = array<i32>} : memref<8256xi32, #tpu.memory_space<vmem>>, vector<16xi32>,
    tpu.vector_store %arg9[%swap3A_91], %broadcast_in_dim3A_79 {strides = array<i32>} : memref<8256xi32, #tpu.memory_space<vmem>>, vector<16xi32>,
    %add3A_93 = arith.constant 15 : i32
    %add3A_94 = arith.addi %scan3A_76, %add3A_93 : i32
    %jit3A_95 = arith.constant 16 : i32
    %div3A_96 = arith.divsi %add3A_94, %jit3A_95 : i32
    %sign3A_97 = arith.constant 0 : i32
    %sign3A_98 = arith.cmpi sgt, %add3A_94, %sign3A_97 : i32
    %sign3A_99 = arith.extui %sign3A_98 : i1 to i32
    %sign3A_100 = arith.constant 0 : i32
    %sign3A_101 = arith.cmpi slt, %add3A_94, %sign3A_100 : i32
    %sign3A_102 = arith.extui %sign3A_101 : i1 to i32
    %sign3A_103 = arith.subi %sign3A_99, %sign3A_102 : i32
    %sign3A_104 = arith.constant 0 : i32
    %sign3A_105 = arith.cmpi sgt, %jit3A_95, %sign3A_104 : i32
    %sign3A_106 = arith.extui %sign3A_105 : i1 to i32
    %sign3A_107 = arith.constant 0 : i32
    %sign3A_108 = arith.cmpi slt, %jit3A_95, %sign3A_107 : i32
    %sign3A_109 = arith.extui %sign3A_108 : i1 to i32
    %sign3A_110 = arith.subi %sign3A_106, %sign3A_109 : i32
    %ne3A_111 = arith.cmpi ne, %sign3A_103, %sign3A_110 : i32
    %rem3A_112 = arith.remsi %add3A_94, %jit3A_95 : i32
    %ne3A_113 = arith.constant 0 : i32
    %ne3A_114 = arith.cmpi ne, %rem3A_112, %ne3A_113 : i32
    %and3A_115 = arith.andi %ne3A_111, %ne3A_114 : i1
    %sub3A_116 = arith.constant 1 : i32
    %sub3A_117 = arith.subi %div3A_96, %sub3A_116 : i32
    %select_n3A_118 = arith.select %and3A_115, %sub3A_117, %div3A_96 : i32
    %sub3A_119 = arith.constant 1024 : i32
    %sub3A_120 = arith.subi %sub3A_119, %scan3A_69#2 : i32
    %shift_left3A = arith.constant 24 : i32
    %shift_left3A_121 = arith.shli %scan3A_69#1, %shift_left3A : i32
    %add3A_122 = arith.constant 16777215 : i32
    %add3A_123 = arith.addi %shift_left3A_121, %add3A_122 : i32
    %broadcast_in_dim3A_124 = vector.broadcast %sub3A_120 : i32 to vector<16xi32>
    %broadcast_in_dim3A_125 = vector.broadcast %shift_left3A_121 : i32 to vector<16xi32>
    %broadcast_in_dim3A_126 = vector.broadcast %add3A_123 : i32 to vector<16xi32>
    %broadcast_in_dim3A_127 = arith.constant 1 : i32
    %broadcast_in_dim3A_128 = vector.broadcast %broadcast_in_dim3A_127 : i32 to vector<16xi32>
    %le3A = arith.constant 64 : i32
    "tpu.trace_start"() <{level = 10 : i32, message = "tk_bisect"}> : () -> ()
    %le3A_129 = arith.cmpi sle, %scan3A_76, %le3A : i32
    %convert_element_type3A = arith.extui %le3A_129 : i1 to i32
    %cond3A = arith.constant 0 : i32
    %cond3A_130 = arith.constant 0 : i32
    %cond3A_131 = arith.cmpi ne, %convert_element_type3A, %cond3A_130 : i32
    %cond3A_132 = scf.if %cond3A_131 -> (vector<16xi32>) {
      %scan3A_174 = arith.constant 0 : i32
      %scan3A_175 = arith.constant 24 : i32
      %scan3A_176 = arith.addi %scan3A_174, %scan3A_175 : i32
      %scan3A_177 = arith.constant 1 : i32
      %scan3A_178:2 = scf.for %scan3A_180 = %scan3A_174 to %scan3A_176 step %scan3A_177 iter_args(%scan3A_181 = %broadcast_in_dim3A_125, %scan3A_182 = %broadcast_in_dim3A_126) -> (vector<16xi32>, vector<16xi32>)  : i32 {
        %lt3A_183 = arith.cmpi ult, %scan3A_181, %scan3A_182 : vector<16xi32>
        %sub3A_184 = arith.subi %scan3A_182, %scan3A_181 : vector<16xi32>
        %shift_right_logical3A = arith.shrui %sub3A_184, %broadcast_in_dim3A_128 : vector<16xi32>
        %add3A_185 = arith.addi %scan3A_181, %shift_right_logical3A : vector<16xi32>
        %get3A = arith.constant 0 : index
        %get3A_186 = tpu.vector_load %arg9[%get3A] {strides = array<i32>} : memref<8256xi32, #tpu.memory_space<vmem>>, vector<16xi32>,
        %gt3A = arith.cmpi ugt, %get3A_186, %add3A_185 : vector<16xi32>
        %all_reduce_population_count3A = tpu.all_reduce %gt3A {dim = 0 : i64, kind = #tpu.reduction_kind<sum>} : vector<16xi1> -> vector<16xi32>
        %add3A_187 = arith.addi %broadcast_in_dim3A_38, %all_reduce_population_count3A : vector<16xi32>
        %get3A_188 = arith.constant 16 : index
        %get3A_189 = tpu.vector_load %arg9[%get3A_188] {strides = array<i32>} : memref<8256xi32, #tpu.memory_space<vmem>>, vector<16xi32>,
        %gt3A_190 = arith.cmpi ugt, %get3A_189, %add3A_185 : vector<16xi32>
        %all_reduce_population_count3A_191 = tpu.all_reduce %gt3A_190 {dim = 0 : i64, kind = #tpu.reduction_kind<sum>} : vector<16xi1> -> vector<16xi32>
        %add3A_192 = arith.addi %add3A_187, %all_reduce_population_count3A_191 : vector<16xi32>
        %get3A_193 = arith.constant 32 : index
        %get3A_194 = tpu.vector_load %arg9[%get3A_193] {strides = array<i32>} : memref<8256xi32, #tpu.memory_space<vmem>>, vector<16xi32>,
        %gt3A_195 = arith.cmpi ugt, %get3A_194, %add3A_185 : vector<16xi32>
        %all_reduce_population_count3A_196 = tpu.all_reduce %gt3A_195 {dim = 0 : i64, kind = #tpu.reduction_kind<sum>} : vector<16xi1> -> vector<16xi32>
        %add3A_197 = arith.addi %add3A_192, %all_reduce_population_count3A_196 : vector<16xi32>
        %get3A_198 = arith.constant 48 : index
        %get3A_199 = tpu.vector_load %arg9[%get3A_198] {strides = array<i32>} : memref<8256xi32, #tpu.memory_space<vmem>>, vector<16xi32>,
        %gt3A_200 = arith.cmpi ugt, %get3A_199, %add3A_185 : vector<16xi32>
        %all_reduce_population_count3A_201 = tpu.all_reduce %gt3A_200 {dim = 0 : i64, kind = #tpu.reduction_kind<sum>} : vector<16xi1> -> vector<16xi32>
        %add3A_202 = arith.addi %add3A_197, %all_reduce_population_count3A_201 : vector<16xi32>
        %lt3A_203 = arith.cmpi slt, %add3A_202, %broadcast_in_dim3A_124 : vector<16xi32>
        %add3A_204 = arith.addi %add3A_185, %broadcast_in_dim3A_128 : vector<16xi32>
        %select_n3A_205 = arith.select %lt3A_203, %scan3A_181, %add3A_204 : vector<16xi1>, vector<16xi32>
        %select_n3A_206 = arith.select %lt3A_203, %add3A_185, %scan3A_182 : vector<16xi1>, vector<16xi32>
        %select_n3A_207 = arith.select %lt3A_183, %select_n3A_205, %scan3A_181 : vector<16xi1>, vector<16xi32>
        %select_n3A_208 = arith.select %lt3A_183, %select_n3A_206, %scan3A_182 : vector<16xi1>, vector<16xi32>
        scf.yield %select_n3A_207, %select_n3A_208 : vector<16xi32>, vector<16xi32>
      }
      %scan3A_179 = arith.constant 24 : i32
      scf.yield %scan3A_178#1 : vector<16xi32>
    } else {
      %scan3A_174 = arith.constant 0 : i32
      %scan3A_175 = arith.constant 24 : i32
      %scan3A_176 = arith.addi %scan3A_174, %scan3A_175 : i32
      %scan3A_177 = arith.constant 1 : i32
      %scan3A_178:2 = scf.for %scan3A_180 = %scan3A_174 to %scan3A_176 step %scan3A_177 iter_args(%scan3A_181 = %broadcast_in_dim3A_125, %scan3A_182 = %broadcast_in_dim3A_126) -> (vector<16xi32>, vector<16xi32>)  : i32 {
        %lt3A_183 = arith.cmpi ult, %scan3A_181, %scan3A_182 : vector<16xi32>
        %sub3A_184 = arith.subi %scan3A_182, %scan3A_181 : vector<16xi32>
        %shift_right_logical3A = arith.shrui %sub3A_184, %broadcast_in_dim3A_128 : vector<16xi32>
        %add3A_185 = arith.addi %scan3A_181, %shift_right_logical3A : vector<16xi32>
        %while3A = arith.constant 0 : i32
        %while3A_186 = arith.subi %select_n3A_118, %while3A : i32
        %while3A_187 = arith.addi %while3A, %while3A_186 : i32
        %while3A_188 = arith.constant 1 : i32
        %while3A_189 = arith.divsi %while3A_186, %while3A_188 : i32
        %while3A_190 = arith.muli %while3A_189, %while3A_188 : i32
        %while3A_191 = arith.addi %while3A, %while3A_190 : i32
        %while3A_192 = arith.constant 1 : i32
        %while3A_193 = scf.for %while3A_202 = %while3A to %while3A_191 step %while3A_192 iter_args(%while3A_203 = %broadcast_in_dim3A_38) -> (vector<16xi32>)  : i32 {
          %mul3A_204 = arith.constant 16 : i32
          %mul3A_205 = arith.muli %while3A_202, %mul3A_204 : i32
          %get3A = arith.index_cast %mul3A_205 : i32 to index
          %get3A_206 = tpu.vector_load %arg9[%get3A] {strides = array<i32>} : memref<8256xi32, #tpu.memory_space<vmem>>, vector<16xi32>,
          %gt3A = arith.cmpi ugt, %get3A_206, %add3A_185 : vector<16xi32>
          %all_reduce_population_count3A = tpu.all_reduce %gt3A {dim = 0 : i64, kind = #tpu.reduction_kind<sum>} : vector<16xi1> -> vector<16xi32>
          %add3A_207 = arith.addi %while3A_203, %all_reduce_population_count3A : vector<16xi32>
          scf.yield %add3A_207 : vector<16xi32>
        }
        %while3A_194 = arith.constant 1 : i32
        %while3A_195 = scf.for %while3A_202 = %while3A_191 to %while3A_187 step %while3A_194 iter_args(%while3A_203 = %while3A_193) -> (vector<16xi32>)  : i32 {
          %mul3A_204 = arith.constant 16 : i32
          %mul3A_205 = arith.muli %while3A_202, %mul3A_204 : i32
          %get3A = arith.index_cast %mul3A_205 : i32 to index
          %get3A_206 = tpu.vector_load %arg9[%get3A] {strides = array<i32>} : memref<8256xi32, #tpu.memory_space<vmem>>, vector<16xi32>,
          %gt3A = arith.cmpi ugt, %get3A_206, %add3A_185 : vector<16xi32>
          %all_reduce_population_count3A = tpu.all_reduce %gt3A {dim = 0 : i64, kind = #tpu.reduction_kind<sum>} : vector<16xi1> -> vector<16xi32>
          %add3A_207 = arith.addi %while3A_203, %all_reduce_population_count3A : vector<16xi32>
          scf.yield %add3A_207 : vector<16xi32>
        }
        %lt3A_196 = arith.cmpi slt, %while3A_195, %broadcast_in_dim3A_124 : vector<16xi32>
        %add3A_197 = arith.addi %add3A_185, %broadcast_in_dim3A_128 : vector<16xi32>
        %select_n3A_198 = arith.select %lt3A_196, %scan3A_181, %add3A_197 : vector<16xi1>, vector<16xi32>
        %select_n3A_199 = arith.select %lt3A_196, %add3A_185, %scan3A_182 : vector<16xi1>, vector<16xi32>
        %select_n3A_200 = arith.select %lt3A_183, %select_n3A_198, %scan3A_181 : vector<16xi1>, vector<16xi32>
        %select_n3A_201 = arith.select %lt3A_183, %select_n3A_199, %scan3A_182 : vector<16xi1>, vector<16xi32>
        scf.yield %select_n3A_200, %select_n3A_201 : vector<16xi32>, vector<16xi32>
      }
      %scan3A_179 = arith.constant 24 : i32
      scf.yield %scan3A_178#1 : vector<16xi32>
    }
    "tpu.trace_stop"() : () -> ()
    "tpu.trace_start"() <{level = 10 : i32, message = "tk_counts"}> : () -> ()
    %scan3A_133 = arith.constant 0 : i32
    %scan3A_134 = arith.constant 512 : i32
    %scan3A_135 = arith.addi %scan3A_133, %scan3A_134 : i32
    %scan3A_136 = arith.constant 4 : i32
    %scan3A_137 = scf.for %scan3A_174 = %scan3A_133 to %scan3A_135 step %scan3A_136 iter_args(%scan3A_175 = %broadcast_in_dim3A_38) -> (vector<16xi32>)  : i32 {
      %mul3A_176 = arith.constant 16 : i32
      %mul3A_177 = arith.muli %scan3A_174, %mul3A_176 : i32
      %get3A = arith.index_cast %mul3A_177 : i32 to index
      %get3A_178 = tpu.vector_load %arg8[%get3A] {strides = array<i32>} : memref<8192xi32, #tpu.memory_space<vmem>>, vector<16xi32>,
      %gt3A = arith.cmpi ugt, %get3A_178, %cond3A_132 : vector<16xi32>
      %all_reduce_population_count3A = tpu.all_reduce %gt3A {dim = 0 : i64, kind = #tpu.reduction_kind<sum>} : vector<16xi1> -> vector<16xi32>
      %add3A_179 = arith.addi %scan3A_175, %all_reduce_population_count3A : vector<16xi32>
      %scan3A_180 = arith.constant 1 : i32
      %scan3A_181 = arith.addi %scan3A_174, %scan3A_180 : i32
      %mul3A_182 = arith.constant 16 : i32
      %mul3A_183 = arith.muli %scan3A_181, %mul3A_182 : i32
      %get3A_184 = arith.index_cast %mul3A_183 : i32 to index
      %get3A_185 = tpu.vector_load %arg8[%get3A_184] {strides = array<i32>} : memref<8192xi32, #tpu.memory_space<vmem>>, vector<16xi32>,
      %gt3A_186 = arith.cmpi ugt, %get3A_185, %cond3A_132 : vector<16xi32>
      %all_reduce_population_count3A_187 = tpu.all_reduce %gt3A_186 {dim = 0 : i64, kind = #tpu.reduction_kind<sum>} : vector<16xi1> -> vector<16xi32>
      %add3A_188 = arith.addi %add3A_179, %all_reduce_population_count3A_187 : vector<16xi32>
      %scan3A_189 = arith.constant 2 : i32
      %scan3A_190 = arith.addi %scan3A_174, %scan3A_189 : i32
      %mul3A_191 = arith.constant 16 : i32
      %mul3A_192 = arith.muli %scan3A_190, %mul3A_191 : i32
      %get3A_193 = arith.index_cast %mul3A_192 : i32 to index
      %get3A_194 = tpu.vector_load %arg8[%get3A_193] {strides = array<i32>} : memref<8192xi32, #tpu.memory_space<vmem>>, vector<16xi32>,
      %gt3A_195 = arith.cmpi ugt, %get3A_194, %cond3A_132 : vector<16xi32>
      %all_reduce_population_count3A_196 = tpu.all_reduce %gt3A_195 {dim = 0 : i64, kind = #tpu.reduction_kind<sum>} : vector<16xi1> -> vector<16xi32>
      %add3A_197 = arith.addi %add3A_188, %all_reduce_population_count3A_196 : vector<16xi32>
      %scan3A_198 = arith.constant 3 : i32
      %scan3A_199 = arith.addi %scan3A_174, %scan3A_198 : i32
      %mul3A_200 = arith.constant 16 : i32
      %mul3A_201 = arith.muli %scan3A_199, %mul3A_200 : i32
      %get3A_202 = arith.index_cast %mul3A_201 : i32 to index
      %get3A_203 = tpu.vector_load %arg8[%get3A_202] {strides = array<i32>} : memref<8192xi32, #tpu.memory_space<vmem>>, vector<16xi32>,
      %gt3A_204 = arith.cmpi ugt, %get3A_203, %cond3A_132 : vector<16xi32>
      %all_reduce_population_count3A_205 = tpu.all_reduce %gt3A_204 {dim = 0 : i64, kind = #tpu.reduction_kind<sum>} : vector<16xi1> -> vector<16xi32>
      %add3A_206 = arith.addi %add3A_197, %all_reduce_population_count3A_205 : vector<16xi32>
      scf.yield %add3A_206 : vector<16xi32>
    }
    %scan3A_138 = arith.constant 512 : i32
    %broadcast_in_dim3A_139 = arith.constant 1024 : i32
    "tpu.trace_stop"() : () -> ()
    %broadcast_in_dim3A_140 = vector.broadcast %broadcast_in_dim3A_139 : i32 to vector<16xi32>
    %sub3A_141 = arith.subi %broadcast_in_dim3A_140, %scan3A_137 : vector<16xi32>
    %mul3A_142 = arith.constant 128 : i32
    %mul3A_143 = arith.muli %select_n3A_28, %mul3A_142 : i32
    %add3A_144 = arith.constant 128 : i32
    %add3A_145 = arith.addi %mul3A_143, %add3A_144 : i32
    %mul3A_146 = arith.constant 8192 : i32
    %mul3A_147 = arith.muli %add3A_30, %mul3A_146 : i32
    %broadcast_in_dim3A_148 = vector.broadcast %mul3A_143 : i32 to vector<16xi32>
    %broadcast_in_dim3A_149 = vector.broadcast %add3A_145 : i32 to vector<16xi32>
    "tpu.trace_start"() <{level = 10 : i32, message = "tk_comp"}> : () -> ()
    %scan3A_150 = arith.constant 0 : i32
    %scan3A_151 = arith.constant 512 : i32
    %scan3A_152 = arith.addi %scan3A_150, %scan3A_151 : i32
    %scan3A_153 = arith.constant 2 : i32
    %scan3A_154:2 = scf.for %scan3A_174 = %scan3A_150 to %scan3A_152 step %scan3A_153 iter_args(%scan3A_175 = %broadcast_in_dim3A_38, %scan3A_176 = %broadcast_in_dim3A_38) -> (vector<16xi32>, vector<16xi32>)  : i32 {
      %mul3A_177 = arith.constant 16 : i32
      %mul3A_178 = arith.muli %scan3A_174, %mul3A_177 : i32
      %get3A = arith.index_cast %mul3A_178 : i32 to index
      %get3A_179 = tpu.vector_load %arg8[%get3A] {strides = array<i32>} : memref<8192xi32, #tpu.memory_space<vmem>>, vector<16xi32>,
      %gt3A = arith.cmpi ugt, %get3A_179, %cond3A_132 : vector<16xi32>
      %eq3A_180 = arith.cmpi eq, %get3A_179, %cond3A_132 : vector<16xi32>
      %convert_element_type3A_181 = arith.extui %eq3A_180 : vector<16xi1> to vector<16xi32>
      %broadcast_in_dim3A_182 = arith.constant true
      %broadcast_in_dim3A_183 = vector.broadcast %broadcast_in_dim3A_182 : i1 to vector<16xi1>
      %masked_cumsum3A = tpu.scan <sum>, %convert_element_type3A_181 masked %broadcast_in_dim3A_183 : vector<16xi32>, vector<16xi1> -> vector<16xi32>
      %sub3A_184 = arith.subi %masked_cumsum3A, %convert_element_type3A_181 : vector<16xi32>
      %add3A_185 = arith.addi %scan3A_176, %sub3A_184 : vector<16xi32>
      %lt3A_186 = arith.cmpi slt, %add3A_185, %sub3A_141 : vector<16xi32>
      %and3A_187 = arith.andi %eq3A_180, %lt3A_186 : vector<16xi1>
      %or3A = arith.ori %gt3A, %and3A_187 : vector<16xi1>
      %convert_element_type3A_188 = arith.extui %or3A : vector<16xi1> to vector<16xi32>
      %broadcast_in_dim3A_189 = arith.constant true
      %broadcast_in_dim3A_190 = vector.broadcast %broadcast_in_dim3A_189 : i1 to vector<16xi1>
      %masked_cumsum3A_191 = tpu.scan <sum>, %convert_element_type3A_188 masked %broadcast_in_dim3A_190 : vector<16xi32>, vector<16xi1> -> vector<16xi32>
      %sub3A_192 = arith.subi %masked_cumsum3A_191, %convert_element_type3A_188 : vector<16xi32>
      %add3A_193 = arith.addi %scan3A_175, %sub3A_192 : vector<16xi32>
      %ge3A = arith.cmpi sge, %add3A_193, %broadcast_in_dim3A_148 : vector<16xi32>
      %lt3A_194 = arith.cmpi slt, %add3A_193, %broadcast_in_dim3A_149 : vector<16xi32>
      %and3A_195 = arith.andi %ge3A, %lt3A_194 : vector<16xi1>
      %and3A_196 = arith.andi %or3A, %and3A_195 : vector<16xi1>
      %sub3A_197 = arith.subi %add3A_193, %broadcast_in_dim3A_148 : vector<16xi32>
      %jit3A_198 = arith.constant 0 : i32
      %jit3A_199 = arith.constant 127 : i32
      %max3A = vector.broadcast %jit3A_198 : i32 to vector<16xi32>
      %max3A_200 = arith.maxsi %max3A, %sub3A_197 : vector<16xi32>
      %min3A = vector.broadcast %jit3A_199 : i32 to vector<16xi32>
      %min3A_201 = arith.minsi %min3A, %max3A_200 : vector<16xi32>
      %mul3A_202 = arith.constant 16 : i32
      %mul3A_203 = arith.muli %scan3A_174, %mul3A_202 : i32
      %add3A_204 = arith.addi %mul3A_147, %mul3A_203 : i32
      %add3A_205 = vector.broadcast %add3A_204 : i32 to vector<16xi32>
      %add3A_206 = arith.addi %add3A_205, %iota3A : vector<16xi32>
      tpu.vector_store_idx %arg11[%min3A_201], %add3A_206 masked %and3A_196 : memref<144xi32, #tpu.memory_space<vmem>>[vector<16xi32>], vector<16xi32>, vector<16xi1>
      %mul3A_207 = arith.constant 16 : i32
      %mul3A_208 = arith.muli %scan3A_174, %mul3A_207 : i32
      %get3A_209 = arith.index_cast %mul3A_208 : i32 to index
      %get3A_210 = tpu.vector_load %arg7[%get3A_209] {strides = array<i32>} : memref<8192xf32, #tpu.memory_space<vmem>>, vector<16xf32>,
      tpu.vector_store_idx %arg12[%min3A_201], %get3A_210 masked %and3A_196 : memref<144xf32, #tpu.memory_space<vmem>>[vector<16xi32>], vector<16xf32>, vector<16xi1>
      %all_reduce_population_count3A = tpu.all_reduce %or3A {dim = 0 : i64, kind = #tpu.reduction_kind<sum>} : vector<16xi1> -> vector<16xi32>
      %add3A_211 = arith.addi %scan3A_175, %all_reduce_population_count3A : vector<16xi32>
      %all_reduce_population_count3A_212 = tpu.all_reduce %eq3A_180 {dim = 0 : i64, kind = #tpu.reduction_kind<sum>} : vector<16xi1> -> vector<16xi32>
      %add3A_213 = arith.addi %scan3A_176, %all_reduce_population_count3A_212 : vector<16xi32>
      %scan3A_214 = arith.constant 1 : i32
      %scan3A_215 = arith.addi %scan3A_174, %scan3A_214 : i32
      %mul3A_216 = arith.constant 16 : i32
      %mul3A_217 = arith.muli %scan3A_215, %mul3A_216 : i32
      %get3A_218 = arith.index_cast %mul3A_217 : i32 to index
      %get3A_219 = tpu.vector_load %arg8[%get3A_218] {strides = array<i32>} : memref<8192xi32, #tpu.memory_space<vmem>>, vector<16xi32>,
      %gt3A_220 = arith.cmpi ugt, %get3A_219, %cond3A_132 : vector<16xi32>
      %eq3A_221 = arith.cmpi eq, %get3A_219, %cond3A_132 : vector<16xi32>
      %convert_element_type3A_222 = arith.extui %eq3A_221 : vector<16xi1> to vector<16xi32>
      %broadcast_in_dim3A_223 = arith.constant true
      %broadcast_in_dim3A_224 = vector.broadcast %broadcast_in_dim3A_223 : i1 to vector<16xi1>
      %masked_cumsum3A_225 = tpu.scan <sum>, %convert_element_type3A_222 masked %broadcast_in_dim3A_224 : vector<16xi32>, vector<16xi1> -> vector<16xi32>
      %sub3A_226 = arith.subi %masked_cumsum3A_225, %convert_element_type3A_222 : vector<16xi32>
      %add3A_227 = arith.addi %add3A_213, %sub3A_226 : vector<16xi32>
      %lt3A_228 = arith.cmpi slt, %add3A_227, %sub3A_141 : vector<16xi32>
      %and3A_229 = arith.andi %eq3A_221, %lt3A_228 : vector<16xi1>
      %or3A_230 = arith.ori %gt3A_220, %and3A_229 : vector<16xi1>
      %convert_element_type3A_231 = arith.extui %or3A_230 : vector<16xi1> to vector<16xi32>
      %broadcast_in_dim3A_232 = arith.constant true
      %broadcast_in_dim3A_233 = vector.broadcast %broadcast_in_dim3A_232 : i1 to vector<16xi1>
      %masked_cumsum3A_234 = tpu.scan <sum>, %convert_element_type3A_231 masked %broadcast_in_dim3A_233 : vector<16xi32>, vector<16xi1> -> vector<16xi32>
      %sub3A_235 = arith.subi %masked_cumsum3A_234, %convert_element_type3A_231 : vector<16xi32>
      %add3A_236 = arith.addi %add3A_211, %sub3A_235 : vector<16xi32>
      %ge3A_237 = arith.cmpi sge, %add3A_236, %broadcast_in_dim3A_148 : vector<16xi32>
      %lt3A_238 = arith.cmpi slt, %add3A_236, %broadcast_in_dim3A_149 : vector<16xi32>
      %and3A_239 = arith.andi %ge3A_237, %lt3A_238 : vector<16xi1>
      %and3A_240 = arith.andi %or3A_230, %and3A_239 : vector<16xi1>
      %sub3A_241 = arith.subi %add3A_236, %broadcast_in_dim3A_148 : vector<16xi32>
      %jit3A_242 = arith.constant 0 : i32
      %jit3A_243 = arith.constant 127 : i32
      %max3A_244 = vector.broadcast %jit3A_242 : i32 to vector<16xi32>
      %max3A_245 = arith.maxsi %max3A_244, %sub3A_241 : vector<16xi32>
      %min3A_246 = vector.broadcast %jit3A_243 : i32 to vector<16xi32>
      %min3A_247 = arith.minsi %min3A_246, %max3A_245 : vector<16xi32>
      %mul3A_248 = arith.constant 16 : i32
      %mul3A_249 = arith.muli %scan3A_215, %mul3A_248 : i32
      %add3A_250 = arith.addi %mul3A_147, %mul3A_249 : i32
      %add3A_251 = vector.broadcast %add3A_250 : i32 to vector<16xi32>
      %add3A_252 = arith.addi %add3A_251, %iota3A : vector<16xi32>
      tpu.vector_store_idx %arg11[%min3A_247], %add3A_252 masked %and3A_240 : memref<144xi32, #tpu.memory_space<vmem>>[vector<16xi32>], vector<16xi32>, vector<16xi1>
      %mul3A_253 = arith.constant 16 : i32
      %mul3A_254 = arith.muli %scan3A_215, %mul3A_253 : i32
      %get3A_255 = arith.index_cast %mul3A_254 : i32 to index
      %get3A_256 = tpu.vector_load %arg7[%get3A_255] {strides = array<i32>} : memref<8192xf32, #tpu.memory_space<vmem>>, vector<16xf32>,
      tpu.vector_store_idx %arg12[%min3A_247], %get3A_256 masked %and3A_240 : memref<144xf32, #tpu.memory_space<vmem>>[vector<16xi32>], vector<16xf32>, vector<16xi1>
      %all_reduce_population_count3A_257 = tpu.all_reduce %or3A_230 {dim = 0 : i64, kind = #tpu.reduction_kind<sum>} : vector<16xi1> -> vector<16xi32>
      %add3A_258 = arith.addi %add3A_211, %all_reduce_population_count3A_257 : vector<16xi32>
      %all_reduce_population_count3A_259 = tpu.all_reduce %eq3A_221 {dim = 0 : i64, kind = #tpu.reduction_kind<sum>} : vector<16xi1> -> vector<16xi32>
      %add3A_260 = arith.addi %add3A_213, %all_reduce_population_count3A_259 : vector<16xi32>
      scf.yield %add3A_258, %add3A_260 : vector<16xi32>, vector<16xi32>
    }
    %scan3A_155 = arith.constant 512 : i32
    "tpu.trace_stop"() : () -> ()
    "tpu.trace_start"() <{level = 10 : i32, message = "tk_scat"}> : () -> ()
    %mul3A_156 = arith.constant 1152 : i32
    %mul3A_157 = arith.muli %add3A_30, %mul3A_156 : i32
    %mul3A_158 = arith.constant 128 : i32
    %mul3A_159 = arith.muli %select_n3A_28, %mul3A_158 : i32
    %add3A_160 = arith.addi %mul3A_157, %mul3A_159 : i32
    "tpu.region"() ({
      %run_scoped3A = tpu.sem_alloc : memref<!tpu.dma_semaphore, #tpu.memory_space<semaphore_mem>>
      %dma_start3A_174 = arith.constant 0 : i32
      %dma_start3A_175 = tpu.memref_slice %arg11[%dma_start3A_174] : memref<144xi32, #tpu.memory_space<vmem>> -> memref<128xi32, #tpu.memory_space<vmem>>
      %dma_start3A_176 = tpu.memref_slice %arg4[%add3A_160] : memref<4608xi32, #tpu.memory_space<hbm>> -> memref<128xi32, #tpu.memory_space<hbm>>
      %dma_start3A_177 = tpu.memref_slice %arg4[%add3A_160] : memref<4608xi32, #tpu.memory_space<hbm>> -> memref<128xi32, #tpu.memory_space<hbm>>
      %dma_start3A_178 = arith.constant 0 : i32
      %dma_start3A_179 = tpu.memref_slice %arg11[%dma_start3A_178] : memref<144xi32, #tpu.memory_space<vmem>> -> memref<128xi32, #tpu.memory_space<vmem>>
      tpu.enqueue_dma source(%dma_start3A_179 : memref<128xi32, #tpu.memory_space<vmem>>) target(%dma_start3A_177 : memref<128xi32, #tpu.memory_space<hbm>>) target_semaphore(%run_scoped3A : memref<!tpu.dma_semaphore, #tpu.memory_space<semaphore_mem>>)
      %dma_wait3A_180 = arith.constant 0 : i32
      %dma_wait3A_181 = tpu.memref_slice %arg11[%dma_wait3A_180] : memref<144xi32, #tpu.memory_space<vmem>> -> memref<128xi32, #tpu.memory_space<vmem>>
      %dma_wait3A_182 = tpu.memref_slice %arg4[%add3A_160] : memref<4608xi32, #tpu.memory_space<hbm>> -> memref<128xi32, #tpu.memory_space<hbm>>
      %dma_wait3A_183 = tpu.memref_slice %arg4[%add3A_160] : memref<4608xi32, #tpu.memory_space<hbm>> -> memref<128xi32, #tpu.memory_space<hbm>>
      %dma_wait3A_184 = arith.constant 0 : i32
      %dma_wait3A_185 = tpu.memref_slice %arg11[%dma_wait3A_184] : memref<144xi32, #tpu.memory_space<vmem>> -> memref<128xi32, #tpu.memory_space<vmem>>
      tpu.wait_dma2 semaphore(%run_scoped3A : memref<!tpu.dma_semaphore, #tpu.memory_space<semaphore_mem>>) src(%dma_wait3A_185 : memref<128xi32, #tpu.memory_space<vmem>>) dst(%dma_wait3A_183 : memref<128xi32, #tpu.memory_space<hbm>>)
      tpu.yield
    }) : () -> ()
    "tpu.region"() ({
      %run_scoped3A = tpu.sem_alloc : memref<!tpu.dma_semaphore, #tpu.memory_space<semaphore_mem>>
      %dma_start3A_174 = arith.constant 0 : i32
      %dma_start3A_175 = tpu.memref_slice %arg12[%dma_start3A_174] : memref<144xf32, #tpu.memory_space<vmem>> -> memref<128xf32, #tpu.memory_space<vmem>>
      %dma_start3A_176 = tpu.memref_slice %arg5[%add3A_160] : memref<4608xf32, #tpu.memory_space<hbm>> -> memref<128xf32, #tpu.memory_space<hbm>>
      %dma_start3A_177 = tpu.memref_slice %arg5[%add3A_160] : memref<4608xf32, #tpu.memory_space<hbm>> -> memref<128xf32, #tpu.memory_space<hbm>>
      %dma_start3A_178 = arith.constant 0 : i32
      %dma_start3A_179 = tpu.memref_slice %arg12[%dma_start3A_178] : memref<144xf32, #tpu.memory_space<vmem>> -> memref<128xf32, #tpu.memory_space<vmem>>
      tpu.enqueue_dma source(%dma_start3A_179 : memref<128xf32, #tpu.memory_space<vmem>>) target(%dma_start3A_177 : memref<128xf32, #tpu.memory_space<hbm>>) target_semaphore(%run_scoped3A : memref<!tpu.dma_semaphore, #tpu.memory_space<semaphore_mem>>)
      %dma_wait3A_180 = arith.constant 0 : i32
      %dma_wait3A_181 = tpu.memref_slice %arg12[%dma_wait3A_180] : memref<144xf32, #tpu.memory_space<vmem>> -> memref<128xf32, #tpu.memory_space<vmem>>
      %dma_wait3A_182 = tpu.memref_slice %arg5[%add3A_160] : memref<4608xf32, #tpu.memory_space<hbm>> -> memref<128xf32, #tpu.memory_space<hbm>>
      %dma_wait3A_183 = tpu.memref_slice %arg5[%add3A_160] : memref<4608xf32, #tpu.memory_space<hbm>> -> memref<128xf32, #tpu.memory_space<hbm>>
      %dma_wait3A_184 = arith.constant 0 : i32
      %dma_wait3A_185 = tpu.memref_slice %arg12[%dma_wait3A_184] : memref<144xf32, #tpu.memory_space<vmem>> -> memref<128xf32, #tpu.memory_space<vmem>>
      tpu.wait_dma2 semaphore(%run_scoped3A : memref<!tpu.dma_semaphore, #tpu.memory_space<semaphore_mem>>) src(%dma_wait3A_185 : memref<128xf32, #tpu.memory_space<vmem>>) dst(%dma_wait3A_183 : memref<128xf32, #tpu.memory_space<hbm>>)
      tpu.yield
    }) : () -> ()
    "tpu.trace_stop"() : () -> ()
    "tpu.trace_start"() <{level = 10 : i32, message = "tk_gather"}> : () -> ()
    %dma_start3A = arith.constant 0 : i32
    %dma_start3A_161 = tpu.memref_slice %arg11[%dma_start3A] : memref<144xi32, #tpu.memory_space<vmem>> -> memref<128xi32, #tpu.memory_space<vmem>>
    %dma_start3A_162 = arith.constant 0 : i32
    %dma_start3A_163 = arith.constant 0 : i32
    %dma_start3A_164 = tpu.memref_slice %arg3[%dma_start3A_162, %dma_start3A_163] : memref<32768x768xf32, #tpu.memory_space<hbm>> -> memref<32768x768xf32, #tpu.memory_space<hbm>>
    tpu.enqueue_indirect_dma source(%dma_start3A_164 : memref<32768x768xf32, #tpu.memory_space<hbm>>) target(%arg13 : memref<128x768xf32, #tpu.memory_space<vmem>>) offsets(%dma_start3A_161 : memref<128xi32, #tpu.memory_space<vmem>>) semaphore(%arg14 : memref<!tpu.dma_semaphore, #tpu.memory_space<semaphore_mem>>)
    %dma_wait3A = arith.constant 0 : i32
    %dma_wait3A_165 = tpu.memref_slice %arg11[%dma_wait3A] : memref<144xi32, #tpu.memory_space<vmem>> -> memref<128xi32, #tpu.memory_space<vmem>>
    %dma_wait3A_166 = arith.constant 0 : i32
    %dma_wait3A_167 = arith.constant 0 : i32
    %dma_wait3A_168 = tpu.memref_slice %arg3[%dma_wait3A_166, %dma_wait3A_167] : memref<32768x768xf32, #tpu.memory_space<hbm>> -> memref<32768x768xf32, #tpu.memory_space<hbm>>
    tpu.wait_indirect_dma semaphore(%arg14 : memref<!tpu.dma_semaphore, #tpu.memory_space<semaphore_mem>>) src(%dma_wait3A_168 : memref<32768x768xf32, #tpu.memory_space<hbm>>) dst(%arg13 : memref<128x768xf32, #tpu.memory_space<vmem>>)
    %mul3A_169 = arith.constant 8 : i32
    %mul3A_170 = arith.muli %add3A_30, %mul3A_169 : i32
    %add3A_171 = arith.addi %mul3A_170, %select_n3A_28 : i32
    %mul3A_172 = arith.constant 128 : i32
    %mul3A_173 = arith.muli %add3A_171, %mul3A_172 : i32
    "tpu.region"() ({
      %run_scoped3A = tpu.sem_alloc : memref<!tpu.dma_semaphore, #tpu.memory_space<semaphore_mem>>
      %dma_start3A_174 = arith.constant 0 : i32
      %dma_start3A_175 = tpu.memref_slice %arg6[%mul3A_173, %dma_start3A_174] : memref<4096x768xf32, #tpu.memory_space<hbm>> -> memref<128x768xf32, #tpu.memory_space<hbm>>
      %dma_start3A_176 = arith.constant 0 : i32
      %dma_start3A_177 = tpu.memref_slice %arg6[%mul3A_173, %dma_start3A_176] : memref<4096x768xf32, #tpu.memory_space<hbm>> -> memref<128x768xf32, #tpu.memory_space<hbm>>
      tpu.enqueue_dma source(%arg13 : memref<128x768xf32, #tpu.memory_space<vmem>>) target(%dma_start3A_177 : memref<128x768xf32, #tpu.memory_space<hbm>>) target_semaphore(%run_scoped3A : memref<!tpu.dma_semaphore, #tpu.memory_space<semaphore_mem>>)
      %dma_wait3A_178 = arith.constant 0 : i32
      %dma_wait3A_179 = tpu.memref_slice %arg6[%mul3A_173, %dma_wait3A_178] : memref<4096x768xf32, #tpu.memory_space<hbm>> -> memref<128x768xf32, #tpu.memory_space<hbm>>
      %dma_wait3A_180 = arith.constant 0 : i32
      %dma_wait3A_181 = tpu.memref_slice %arg6[%mul3A_173, %dma_wait3A_180] : memref<4096x768xf32, #tpu.memory_space<hbm>> -> memref<128x768xf32, #tpu.memory_space<hbm>>
      tpu.wait_dma2 semaphore(%run_scoped3A : memref<!tpu.dma_semaphore, #tpu.memory_space<semaphore_mem>>) src(%arg13 : memref<128x768xf32, #tpu.memory_space<vmem>>) dst(%dma_wait3A_181 : memref<128x768xf32, #tpu.memory_space<hbm>>)
      tpu.yield
    }) : () -> ()
    "tpu.trace_stop"() : () -> ()
    return
  }
}

module attributes {stable_mosaic.version = 14 : i64} {
  func.func @_stage1_scores_copy(%arg0: i32, %arg1: memref<768x1xf32, #tpu.memory_space<vmem>>, %arg2: memref<1024x768xf32, #tpu.memory_space<vmem>>, %arg3: memref<1024x768xf32, #tpu.memory_space<vmem>>, %arg4: memref<1024x1xf32, #tpu.memory_space<vmem>>) attributes {dimension_semantics = [#tpu.dimension_semantics<arbitrary>], iteration_bounds = array<i64: 32>, scalar_prefetch = 0 : i64, scratch_operands = 0 : i64, tpu.core_type = #tpu.core_type<tc>, window_params = [{pipeline_mode = #tpu.pipeline_mode<synchronous>, transform_indices = @transform_0, window_bounds = array<i64: 768, 1>}, {transform_indices = @transform_1, window_bounds = array<i64: 1024, 768>}, {transform_indices = @transform_2, window_bounds = array<i64: 1024, 768>}, {transform_indices = @transform_3, window_bounds = array<i64: 1024, 1>}]} {
    %get3A = arith.constant 0 : index
    %get3A_0 = arith.constant 0 : index
    %get3A_1 = vector.load %arg2[%get3A, %get3A_0] : memref<1024x768xf32, #tpu.memory_space<vmem>>, vector<1024x768xf32>
    %swap3A = arith.constant 0 : index
    %swap3A_2 = arith.constant 0 : index
    %swap3A_3 = vector.load %arg3[%swap3A, %swap3A_2] : memref<1024x768xf32, #tpu.memory_space<vmem>>, vector<1024x768xf32>
    tpu.vector_store %arg3[%swap3A, %swap3A_2], %get3A_1 {strides = array<i32>} : memref<1024x768xf32, #tpu.memory_space<vmem>>, vector<1024x768xf32>,
    %get3A_4 = arith.constant 0 : index
    %get3A_5 = arith.constant 0 : index
    %get3A_6 = vector.load %arg1[%get3A_4, %get3A_5] : memref<768x1xf32, #tpu.memory_space<vmem>>, vector<768x1xf32>
    %dot_general3A = arith.constant dense<0.000000e+00> : vector<1024x1xf32>
    %dot_general3A_7 = tpu.matmul %get3A_1, %get3A_6, %dot_general3A {dimension_numbers = #tpu.dot_dimension_numbers<[1], [0], [0], [1], [0, 0, 1, 1], [], []>, transpose_lhs_hint = false} : vector<1024x768xf32>, vector<768x1xf32>, vector<1024x1xf32> -> vector<1024x1xf32>
    %swap3A_8 = arith.constant 0 : index
    %swap3A_9 = arith.constant 0 : index
    %swap3A_10 = vector.load %arg4[%swap3A_8, %swap3A_9] : memref<1024x1xf32, #tpu.memory_space<vmem>>, vector<1024x1xf32>
    tpu.vector_store %arg4[%swap3A_8, %swap3A_9], %dot_general3A_7 {strides = array<i32>} : memref<1024x1xf32, #tpu.memory_space<vmem>>, vector<1024x1xf32>,
    return
  }
  func.func @transform_0(%arg0: i32) -> (i32, i32) {
    %c0_i32 = arith.constant 0 : i32
    %c0_i32_0 = arith.constant 0 : i32
    %c0_i32_1 = arith.constant 0 : i32
    return %c0_i32, %c0_i32_0 : i32, i32
  }
  func.func @transform_1(%arg0: i32) -> (i32, i32) {
    %c0_i32 = arith.constant 0 : i32
    %c0_i32_0 = arith.constant 0 : i32
    return %arg0, %c0_i32 : i32, i32
  }
  func.func @transform_2(%arg0: i32) -> (i32, i32) {
    %c0_i32 = arith.constant 0 : i32
    %c0_i32_0 = arith.constant 0 : i32
    return %arg0, %c0_i32 : i32, i32
  }
  func.func @transform_3(%arg0: i32) -> (i32, i32) {
    %c0_i32 = arith.constant 0 : i32
    %c0_i32_0 = arith.constant 0 : i32
    return %arg0, %c0_i32 : i32, i32
  }
}

module attributes {stable_mosaic.version = 14 : i64} {
  func.func @_stage4_layer(%arg0: i32, %arg1: memref<512x768xf32, #tpu.memory_space<vmem>>, %arg2: memref<768x768xf32, #tpu.memory_space<vmem>>, %arg3: memref<1x768xf32, #tpu.memory_space<vmem>>, %arg4: memref<512x1xf32, #tpu.memory_space<vmem>>, %arg5: memref<512x768xf32, #tpu.memory_space<vmem>>) attributes {dimension_semantics = [#tpu.dimension_semantics<arbitrary>], iteration_bounds = array<i64: 8>, scalar_prefetch = 0 : i64, scratch_operands = 0 : i64, tpu.core_type = #tpu.core_type<tc>, window_params = [{transform_indices = @transform_0, window_bounds = array<i64: 512, 768>}, {pipeline_mode = #tpu.pipeline_mode<synchronous>, transform_indices = @transform_1, window_bounds = array<i64: 768, 768>}, {pipeline_mode = #tpu.pipeline_mode<synchronous>, transform_indices = @transform_2, window_bounds = array<i64: 1, 768>}, {transform_indices = @transform_3, window_bounds = array<i64: 512, 1>}, {transform_indices = @transform_4, window_bounds = array<i64: 512, 768>}]} {
    %get3A = arith.constant 0 : index
    %get3A_0 = arith.constant 0 : index
    %get3A_1 = vector.load %arg1[%get3A, %get3A_0] : memref<512x768xf32, #tpu.memory_space<vmem>>, vector<512x768xf32>
    %get3A_2 = arith.constant 0 : index
    %get3A_3 = arith.constant 0 : index
    %get3A_4 = vector.load %arg2[%get3A_2, %get3A_3] : memref<768x768xf32, #tpu.memory_space<vmem>>, vector<768x768xf32>
    %dot_general3A = arith.constant dense<0.000000e+00> : vector<512x768xf32>
    %dot_general3A_5 = tpu.matmul %get3A_1, %get3A_4, %dot_general3A {dimension_numbers = #tpu.dot_dimension_numbers<[1], [0], [0], [1], [0, 0, 1, 1], [], []>, transpose_lhs_hint = false} : vector<512x768xf32>, vector<768x768xf32>, vector<512x768xf32> -> vector<512x768xf32>
    %get3A_6 = arith.constant 0 : index
    %get3A_7 = arith.constant 0 : index
    %get3A_8 = vector.load %arg3[%get3A_6, %get3A_7] : memref<1x768xf32, #tpu.memory_space<vmem>>, vector<1x768xf32>
    %add3A = vector.broadcast %get3A_8 : vector<1x768xf32> to vector<512x768xf32>
    %add3A_9 = arith.addf %dot_general3A_5, %add3A : vector<512x768xf32>
    %get3A_10 = arith.constant 0 : index
    %get3A_11 = arith.constant 0 : index
    %get3A_12 = vector.load %arg4[%get3A_10, %get3A_11] : memref<512x1xf32, #tpu.memory_space<vmem>>, vector<512x1xf32>
    %logistic3A = arith.negf %get3A_12 : vector<512x1xf32>
    %logistic3A_13 = math.exp %logistic3A : vector<512x1xf32>
    %logistic3A_14 = arith.constant 1.000000e+00 : f32
    %logistic3A_15 = vector.broadcast %logistic3A_14 : f32 to vector<512x1xf32>
    %logistic3A_16 = arith.addf %logistic3A_15, %logistic3A_13 : vector<512x1xf32>
    %logistic3A_17 = arith.divf %logistic3A_15, %logistic3A_16 : vector<512x1xf32>
    %mul3A = vector.broadcast %logistic3A_17 : vector<512x1xf32> to vector<512x768xf32>
    %mul3A_18 = arith.mulf %add3A_9, %mul3A : vector<512x768xf32>
    %mul3A_19 = vector.broadcast %logistic3A_17 : vector<512x1xf32> to vector<512x768xf32>
    %mul3A_20 = arith.mulf %get3A_1, %mul3A_19 : vector<512x768xf32>
    %sub3A = arith.subf %mul3A_18, %mul3A_20 : vector<512x768xf32>
    %add3A_21 = arith.addf %get3A_1, %sub3A : vector<512x768xf32>
    %swap3A = arith.constant 0 : index
    %swap3A_22 = arith.constant 0 : index
    %swap3A_23 = vector.load %arg5[%swap3A, %swap3A_22] : memref<512x768xf32, #tpu.memory_space<vmem>>, vector<512x768xf32>
    tpu.vector_store %arg5[%swap3A, %swap3A_22], %add3A_21 {strides = array<i32>} : memref<512x768xf32, #tpu.memory_space<vmem>>, vector<512x768xf32>,
    return
  }
  func.func @transform_0(%arg0: i32) -> (i32, i32) {
    %c0_i32 = arith.constant 0 : i32
    %c0_i32_0 = arith.constant 0 : i32
    return %arg0, %c0_i32 : i32, i32
  }
  func.func @transform_1(%arg0: i32) -> (i32, i32) {
    %c0_i32 = arith.constant 0 : i32
    %c0_i32_0 = arith.constant 0 : i32
    %c0_i32_1 = arith.constant 0 : i32
    return %c0_i32, %c0_i32_0 : i32, i32
  }
  func.func @transform_2(%arg0: i32) -> (i32, i32) {
    %c0_i32 = arith.constant 0 : i32
    %c0_i32_0 = arith.constant 0 : i32
    %c0_i32_1 = arith.constant 0 : i32
    return %c0_i32, %c0_i32_0 : i32, i32
  }
  func.func @transform_3(%arg0: i32) -> (i32, i32) {
    %c0_i32 = arith.constant 0 : i32
    %c0_i32_0 = arith.constant 0 : i32
    return %arg0, %c0_i32 : i32, i32
  }
  func.func @transform_4(%arg0: i32) -> (i32, i32) {
    %c0_i32 = arith.constant 0 : i32
    %c0_i32_0 = arith.constant 0 : i32
    return %arg0, %c0_i32 : i32, i32
  }
}

</mosaic_0001>

<sc_bundles>
// kernel: kernel.6.cloned.1.call-start
scs
__scs_entry_jumppad:
0x0: {  	(pc) =	sbr.rel $0x88, $3  }
0x1: {  	(tag) =	ssettag $0x0;
	lr =	simm.s32 $0x1  }
0x2: {  	[smem:$0x3F9D] =	sst lr;
	_ =	strace $0xD0000000  }
0x3: {  	_ = 	snop  }
0x4: {  	_ = 	snop  }
0x5: {  	_ = 	snop  }
0x6: {  	_ = 	snop  }
0x7: {  	_ = 	snop  }
__scs_overlays_trampoline_lowered:
0x8: {  	[smem:$0x3FAC] =	sst s0  }
0x9: {  	[smem:$0x3FAD] =	sst s1  }
0xa: {  	[smem:$0x3FAE] =	sst s2  }
0xb: {  	[smem:$0x3FAF] =	sst s3  }
0xc: {  	[smem:$0x3FB0] =	sst s4  }
0xd: {  	[smem:$0x3FB1] =	sst s5  }
0xe: {  	[smem:$0x3FB2] =	sst s6  }
0xf: {  	[smem:$0x3FB3] =	sst s7  }
0x10: {  	[smem:$0x3FB4] =	sst s8  }
0x11: {  	[smem:$0x3FB5] =	sst s9;
	s0 =	simm.s32 @!p0 $0x0  }
0x12: {  	s1 =	sld [smem:$0x3F9B];
	s0 =	simm.s32 @p0 $0x1  }
0x13: {  	[smem:$0x3FB6] =	sst s0;
	s0 =	simm.s32 @!p1 $0x0  }
0x14: {  	s2 =	sld [smem:$0x3F9A];
	s0 =	simm.s32 @p1 $0x1  }
0x15: {  	[smem:$0x3FB7] =	sst s0;
	s0 =	simm.s32 @!p2 $0x0  }
0x16: {  	s3 =	sld [smem:$0x3FDB];
	s0 =	simm.s32 @p2 $0x1  }
0x17: {  	s4 =	simm.s32 $0x1BF5;
	[smem:$0x3FB9] =	sst s0  }
0x18: {  	s0 =	sld [smem:$0x3F9C];
	_ =	swait.ge [sflag:s4], $0x0  }
0x19: {  	s7 =	sld [smem:$0x3F9D]  }
0x1a: {  	s8 =	sadd.s32 $0xFFFFE003, lr  }
0x1b: {  	s9 =	sadd.s32 $0xFFFFFEF7, lr;
	s5 =	simm.s32 $0xFFFFFFFF;
	p2 =	slt.u32 s8, $0xFFFFF086  }
0x1c: {  	p1 =	slt.u32 s9, $0xF7A;
	s5 =	simm.s32 @!p2 $0x0  }
0x1d: {  	s5 =	simm.s32 @p1 $0x1;
	p0 =	seq.s32 s7, s2  }
0x1e: {  	s7 =	smul.u32 @!p0 $0xF7A, s2;
	p2 =	seq.s32 @!p0 s5, $0x0  }
0x1f: {  	s9 =	smul.u32 $0xF7A, s1;
	s8 =	simm.s32 @!p0 $0x1BF5;
	p2 =	por !p2, p0  }
0x20: {  	[sflag:s8] =	ssyncset.s32 @!p0 $0xFFFFF086;
	s6 =	sadd.s32 @!p0 s3, s7;
	s7 =	simm.s32 @!p0 $0x108  }
0x21: {  	s3 =	sadd.s32 s3, s9;
	s6 =	sadd.s32 @!p0 $0x88, s6;
	s7 =	simm.s32 @p2 $0x1082  }
0x22: {  	[simem:s7], [sflag:s8] =	dma.local @!p0 [hbm:s6], $0xF7A  }
0x23: {  	s9 =	sor.u32 $0xD0000000, s2;
	s6 =	simm.s32 $0x108;
	_ =	swait.ge @!p0 [sflag:s8], $0x0  }
0x24: {  	s3 =	sadd.s32 $0x88, s3;
	s6 =	simm.s32 @!p1 $0x1082;
	[sflag:s4] =	ssyncset.s32 $0xFFFFF086  }
0x25: {  	[simem:s6], [sflag:s4] =	dma.local [hbm:s3], $0xF7A  }
0x26: {  	[smem:$0x3F9D] =	sst s1;
	(tag) =	ssettag s2;
	_ =	strace s9  }
0x27: {  	s1 =	sld [smem:$0x3FAD]  }
0x28: {  	s2 =	sld [smem:$0x3FAE]  }
0x29: {  	s4 =	sld [smem:$0x3FB0]  }
0x2a: {  	p0 =	seq.s32 s5, $0x0;
	s5 =	sld [smem:$0x3FB1]  }
0x2b: {  	s6 =	sld [smem:$0x3FB2]  }
0x2c: {  	s7 =	sld [smem:$0x3FB3]  }
0x2d: {  	s3 =	simm.s32 $0x108;
	s8 =	sld [smem:$0x3FB4]  }
0x2e: {  	s3 =	simm.s32 @!p0 $0x1082;
	s9 =	sld [smem:$0x3FB5]  }
0x2f: {  	lr =	sadd.s32 s0, s3;
	s0 =	sld [smem:$0x3FAC]  }
0x30: {  	s3 =	sld [smem:$0x3FAF]  }
0x31: {  	[smem:$0x3FB8] =	sst s10  }
0x32: {  	s10 =	sld [smem:$0x3FB6];
	_ =	sdelay $0x3  }
0x33: {  	p0 =	seq.s32 s10, $0x1;
	s10 =	sld [smem:$0x3FB8];
	_ =	sdelay $0x3  }
0x34: {  	[smem:$0x3FB8] =	sst s10  }
0x35: {  	s10 =	sld [smem:$0x3FB7];
	_ =	sdelay $0x3  }
0x36: {  	p1 =	seq.s32 s10, $0x1;
	s10 =	sld [smem:$0x3FB8];
	_ =	sdelay $0x3  }
0x37: {  	[smem:$0x3FB8] =	sst s10  }
0x38: {  	s10 =	sld [smem:$0x3FB9]  }
0x39: {  	_ = 	snop;
	(pc) =	sbr.ind lr, $3  }
0x3a: {  	_ = 	snop  }
0x3b: {  	_ = 	snop  }
0x3c: {  	p2 =	seq.s32 s10, $0x1;
	s10 =	sld [smem:$0x3FB8]  }
0x3d: {  	_ =	shalt  }
0x3e: {  	_ =	shalt  }
0x3f: {  	_ =	shalt  }
0x40: {  	_ =	shalt  }
0x41: {  	_ =	shalt  }
0x42: {  	_ =	shalt  }
0x43: {  	_ =	shalt  }
0x44: {  	_ =	shalt  }
0x45: {  	_ =	shalt  }
0x46: {  	_ =	shalt  }
0x47: {  	_ =	shalt  }
0x48: {  	_ =	shalt  }
0x49: {  	_ =	shalt  }
0x4a: {  	_ =	shalt  }
0x4b: {  	_ =	shalt  }
0x4c: {  	_ =	shalt  }
0x4d: {  	_ =	shalt  }
0x4e: {  	_ =	shalt  }
0x4f: {  	_ =	shalt  }
0x50: {  	_ =	shalt  }
0x51: {  	_ =	shalt  }
0x52: {  	_ =	shalt  }
0x53: {  	_ =	shalt  }
0x54: {  	_ =	shalt  }
0x55: {  	_ =	shalt  }
0x56: {  	_ =	shalt  }
0x57: {  	_ =	shalt  }
0x58: {  	_ =	shalt  }
0x59: {  	_ =	shalt  }
0x5a: {  	_ =	shalt  }
0x5b: {  	_ =	shalt  }
0x5c: {  	_ =	shalt  }
0x5d: {  	_ =	shalt  }
0x5e: {  	_ =	shalt  }
0x5f: {  	_ =	shalt  }
0x60: {  	_ =	shalt  }
0x61: {  	_ =	shalt  }
0x62: {  	_ =	shalt  }
0x63: {  	_ =	shalt  }
0x64: {  	_ =	shalt  }
0x65: {  	_ =	shalt  }
0x66: {  	_ =	shalt  }
0x67: {  	_ =	shalt  }
0x68: {  	_ =	shalt  }
0x69: {  	_ =	shalt  }
0x6a: {  	_ =	shalt  }
0x6b: {  	_ =	shalt  }
0x6c: {  	_ =	shalt  }
0x6d: {  	_ =	shalt  }
0x6e: {  	_ =	shalt  }
0x6f: {  	_ =	shalt  }
0x70: {  	_ =	shalt  }
0x71: {  	_ =	shalt  }
0x72: {  	_ =	shalt  }
0x73: {  	_ =	shalt  }
0x74: {  	_ =	shalt  }
0x75: {  	_ =	shalt  }
0x76: {  	_ =	shalt  }
0x77: {  	_ =	shalt  }
0x78: {  	_ =	shalt  }
0x79: {  	_ =	shalt  }
0x7a: {  	_ =	shalt  }
0x7b: {  	_ =	shalt  }
0x7c: {  	_ =	shalt  }
0x7d: {  	_ =	shalt  }
0x7e: {  	_ =	shalt  }
0x7f: {  	_ =	shalt  }
0x80: {  	_ =	shalt  }
0x81: {  	_ =	shalt  }
0x82: {  	_ =	shalt  }
0x83: {  	_ =	shalt  }
0x84: {  	_ =	shalt  }
0x85: {  	_ =	shalt  }
0x86: {  	_ =	shalt  }
0x87: {  	_ =	shalt  }
.Lfunc_end0:
.L_simem_size_0:
called_computation_lowered:
.L_overlay_start_0:
0x88: {  	s2 =	sld [smem:$0x3FD9]  }
0x89: {  	s3 =	sld [smem:$0x3FFE];
	_ =	sdelay $0x1  }
0x8a: {  	s1 =	srdreg.scid  }
0x8b: {  	s0 =	sand.u32 $0x1, s1  }
0x8c: {  	s17 =	sshll.u32 s0, $0xA;
	s2 =	sadd.s32 s3, s2  }
0x8d: {  	s2 =	sadd.s32 s2, s17  }
0x8e: {  	[smem:$0x3FC4] =	sst s2  }
0x8f: {  	_ = 	snop  }
0x90: {  	s2 =	sld [smem:$0x3FC9];
	(tm) =	ssettm $0x1  }
0x91: {  	s18 =	sld [smem:$0x3FFB];
	_ =	sdelay $0x3  }
0x92: {  	_ =	strace s18  }
0x93: {  	s3 =	sld [smem:$0x3FFC];
	_ =	sdelay $0x3  }
0x94: {  	_ =	strace s3  }
0x95: {  	s3 =	sld [smem:$0x3FFD];
	_ =	sdelay $0x3  }
0x96: {  	_ =	strace s3  }
0x97: {  	_ =	strace $0x8FFFFFFF  }
0x98: {  	s19 =	sld [smem:$0x3FDB];
	_ =	sdelay $0x1  }
0x99: {  	s4 =	simm.s32 $_scs_section_size  }
0x9a: {  	s5 =	simm.s32 $_size__tile_overlayer_lowered;
	s6 =	simm.s32 $_tile_overlayer_lowered  }
0x9b: {  	s22 =	simm.s32 $0x1BFF;
	s21 =	sshll.u32 s6, $0x1;
	s3 =	sadd.s32 s4, s19  }
0x9c: {  	s7 =	simm.s32 $0x0;
	s20 =	sshll.u32 s5, $0x1;
	s5 =	sadd.s32 s21, s3  }
0x9d: {  	[timem:s7], [sflag:s22] =	dma.local [hbm:s5], s20  }
0x9e: {  	_ =	swait.ge [sflag:s22], s20  }
0x9f: {  	s4 =	ssub.s32 $0x0, s20;
	[sflag:s22] =	ssyncset.done $0x0  }
0xa0: {  	[sflag:s22] =	ssyncadd.s32 s4;
	_ =	sdelay $0x1  }
0xa1: {  	s23 =	simm.s32 $0x1B8B  }
0xa2: {  	_ =	swait.ge [sflag:s23], $0x1  }
0xa3: {  	[sflag:s23] =	ssyncset.done $0x0  }
0xa4: {  	s25 =	simm.s32 $0x1B8E;
	s24 =	sld [smem:$0x3FFE];
	[sflag:s23] =	ssyncadd.s32 $0xFFFFFFFF  }
0xa5: {  	s26 =	simm.s32 $execute0_lowered;
	[smem:$0x3FD2] =	sst s25  }
0xa6: {  	s5 =	sshll.u32 s26, $0x1;
	_ =	strace $0x80000046;
	[dreg:$0x1] =	wrdreg $0xFFFFFFFF  }
0xa7: {  	s28 =	simm.s32 $_size_execute0_lowered;
	s3 =	sadd.s32 s3, s5;
	[dreg:$0x0] =	wrdreg $0x0  }
0xa8: {  	s5 =	sshll.u32 s28, $0x1;
	[dreg:$0x2] =	wrdreg s3  }
0xa9: {  	[dreg:$0x3] =	wrdreg s5  }
0xaa: {  	[dreg:$0x4] =	wrdreg $0xC0  }
0xab: {  	_ =	task [dreg:s7], $0x5FFFF  }
0xac: {  	[dreg:$0x1] =	wrdreg $0xFFFFFFFF  }
0xad: {  	[dreg:$0x0] =	wrdreg $0x60  }
0xae: {  	[dreg:$0x2] =	wrdreg s24  }
0xaf: {  	[dreg:$0x3] =	wrdreg s2  }
0xb0: {  	[dreg:$0x4] =	wrdreg $0x9  }
0xb1: {  	_ =	task.clear_ibuf [dreg:s7], $0x5FFFF;
	_ =	strace $0x90000046  }
0xb2: {  	s29 =	simm.s32 $0x9;
	_ =	strace $0x80000052  }
0xb3: {  	_ =	swait.ge [sflag:s29], $0x1  }
0xb4: {  	[sflag:s29] =	ssyncadd.s32 $0xFFFFFFFF  }
0xb5: {  	_ =	strace $0x90000052  }
0xb6: {  	_ =	sfence  }
0xb7: {  	s30 =	sld [smem:$0x0];
	_ =	sdelay $0x2  }
0xb8: {  	s31 =	sshll.u32 s1, $0xD;
	s1 =	sshrl.u32 s1, $0x2  }
0xb9: {  	s3 =	sand.u32 $0x4000, s31;
	s1 =	sadd.s32 s1, s30  }
0xba: {  	s0 =	sor.u32 s3, s0;
	s1 =	sshll.u32 s1, $0x11  }
0xbb: {  	s0 =	sor.u32 s1, s0  }
0xbc: {  	s0 =	sadd.s32 $0x8F2B, s0  }
0xbd: {  	[sflag:s0] =	ssyncadd.remote.s32 $0x1  }
0xbe: {  	_ =	sfence.sel $0xFFFF  }
0xbf: {  	[dreg:$0x0] =	wrdreg $0xFFFFFFFF;
	(pc) =	sbr.abs _section_cstart, $3  }
0xc0: {  	[dreg:$0x1] =	wrdreg $0xFFFFFFFF  }
0xc1: {  	_ =	task.clear_ibuf [dreg:s7], $0x2FFFF;
	_ =	strace $0x9FFFFFFF  }
0xc2: {  	(tm) =	ssettm $0x7FFFFFFF  }
0xc3: {  	_ =	shalt  }
tec
execute0_lowered:
.L_overlay_start_1:
0x0: {  	(tag) =	ssettag $0x1  }
0x1: {  	s0 =	srdreg.scid;
	s1 =	rddreg [dreg:$0x0]  }
0x2: {  	s3 =	stileid.u32;
	s2 =	rddreg [dreg:$0x1];
	s12 =	simm.s32 $0x2  }
0x3: {  	s13 =	simm.s32 $0x6080;
	s14 =	simm.s32 $0x1;
	s15 =	simm.s32 $0x6180  }
0x4: {  	s16 =	simm.s32 $0x6280;
	s17 =	simm.s32 $0x6380;
	s28 =	simm.s32 $0x1A380  }
0x5: {  	s29 =	simm.s32 $0x1AB80;
	s30 =	simm.s32 $0x1B380;
	s31 =	simm.s32 $0x1BB80  }
0x6: {  	s19 =	simm.s32 $0x1DB80;
	s20 =	simm.s32 $0x0;
	s7 =	sand.u32 $0x1, s0  }
0x7: {  	s8 =	sshrl.u32 s3, $0x3;
	s24 =	sshll.u32 s3, $0x7;
	s3 =	simm.s32 $0x0  }
0x8: {  	s0 =	sshll.u32 s7, $0x1;
	[smem:$0x7FF] =	sst s3;
	s9 =	ssub.s32 $0x2, s7  }
0x9: {  	s25 =	sshll.u32 s7, $0xE;
	s26 =	sshll.u32 s8, $0xD;
	s7 =	sadd.s32 $0x100, s2  }
0xa: {  	s4 =	sor.u32 s8, s0;
	s0 =	sand.u32 $0x380, s24;
	_ =	strace $0x80000047  }
0xb: {  	s10 =	sshrl.u32 s9, $0x1;
	s8 =	sadd.s32 $0x200, s2;
	s5 =	sshll.u32 s4, $0xA  }
0xc: {  	s4 =	smul.u32 $0x480, s4;
	s10 =	ssub.s32 s9, s10;
	s6 =	sor.u32 s0, s5  }
0xd: {  	s18 =	sadd.s32 $0x80, s0;
	s5 =	sadd.s32 s5, s1;
	s6 =	sshrl.u32 s6, $0x3  }
0xe: {  	s10 =	smax.u32 s10, $0x1;
	s4 =	sadd.s32 s0, s4;
	s6 =	smul.u32 $0x300, s6  }
0xf: {  	v0 =	vlaneseq.u32;
	v1 =	vmov s0;
	v3 =	vmov s18;
	s18 =	simm.s32 $0x1D380;
	s0 =	simm.s32 $0x1CB80;
	s4 =	sshrl.u32 s4, $0x3  }
0x10: {  	v4 =	vimm.s32 $0x0;
	v5 =	vimm.s32 $0x1;
	v2 =	vmul.u32 $0xFFFFFFFF, v0;
	s11 =	sadd.s32 s4, s1;
	s4 =	sadd.s32 $0x1000, s5;
	s1 =	sadd.s32 s6, s1  }
0x11: {  	vm0 =	vmmov $0xffff;
	v7 =	vand.u32 $0x7, v0;
	v8 =	vshrl.u32 v0, $0x3;
	s5 =	sadd.s32 $0x62400, s11;
	s6 =	sadd.s32 $0x2000, s11;
	s11 =	sor.u32 s26, s25  }
0x12: {  	v9 =	vor.u32 $0x8, v0;
	v8 =	vmul.u32 $0x8, v8;
	v6 =	vadd.s32 $0xF, v2;
	s9 =	sadd.s32 $0x2400, s1;
	s11 =	sor.u32 $0x10, s11;
	s1 =	simm.s32 $0x1C380  }
.LBB2_1:
0x13: {  	_ =	strace $0x80000048  }
0x14: {  	[tilespmem:s3], [sflag:$0x2] =	stream.linear.gather [hbm4b:s4+s3], $0x2000, $0x200038;
	[tilespmem:$0x1E380] =	vst v63  }
0x15: {  	_ =	swait.ge [sflag:s12], $0x2000  }
0x16: {  	[sflag:s12] =	ssyncset.done $0x0  }
0x17: {  	[sflag:s12] =	ssyncadd.s32 $0xFFFFE000  }
0x18: {  	_ =	strace $0x90000048  }
0x19: {  	s22 =	simm.s32 $0x20;
	_ =	strace $0x80000049  }
0x1a: {  	v10 =	vld [tilespmem:s22+$0xFFFFFFE0];
	_ =	sdelay $0x4  }
0x1b: {  	vm1 =	vlt.s32 v10, $0x0;
	v11 =	vxor.u32 $0xFFFFFFFF, v10;
	v10 =	vor.u32 $0x80000000, v10  }
0x1c: {  	s21 =	simm.s32 $0x2020;
	v10 =	vsel vm1, v11, v10  }
0x1d: {  	[tilespmem:s21+$0xFFFFFFE0] =	vst v10  }
0x1e: {  	v10 =	vld [tilespmem:s22+$0xFFFFFFF0];
	_ =	sdelay $0x4  }
0x1f: {  	vm1 =	vlt.s32 v10, $0x0;
	v11 =	vxor.u32 $0xFFFFFFFF, v10;
	v10 =	vor.u32 $0x80000000, v10  }
0x20: {  	v10 =	vsel vm1, v11, v10  }
0x21: {  	[tilespmem:s21+$0xFFFFFFF0] =	vst v10  }
0x22: {  	v10 =	vld [tilespmem:s22+$0x0];
	_ =	sdelay $0x4  }
0x23: {  	vm1 =	vlt.s32 v10, $0x0;
	v11 =	vxor.u32 $0xFFFFFFFF, v10;
	v10 =	vor.u32 $0x80000000, v10  }
0x24: {  	v10 =	vsel vm1, v11, v10  }
0x25: {  	[tilespmem:s21+$0x0] =	vst v10  }
0x26: {  	v10 =	vld [tilespmem:s22+$0x10];
	_ =	sdelay $0x4  }
0x27: {  	vm1 =	vlt.s32 v10, $0x0;
	v11 =	vxor.u32 $0xFFFFFFFF, v10;
	v10 =	vor.u32 $0x80000000, v10  }
0x28: {  	v10 =	vsel vm1, v11, v10  }
0x29: {  	s23 =	simm.s32 $0x60;
	s22 =	simm.s32 $0x0;
	[tilespmem:s21+$0x10] =	vst v10  }
.LBB2_2:
0x2a: {  	v10 =	vld [tilespmem:s23+$0xFFFFFFE0];
	s22 =	sadd.s32 $0x4, s22  }
0x2b: {  	p0 =	slt.u32 s22, $0x1FC;
	_ =	sdelay $0x3  }
0x2c: {  	vm1 =	vlt.s32 v10, $0x0;
	v11 =	vxor.u32 $0xFFFFFFFF, v10;
	v10 =	vor.u32 $0x80000000, v10  }
0x2d: {  	s21 =	sadd.s32 $0x40, s21;
	v10 =	vsel vm1, v11, v10  }
0x2e: {  	[tilespmem:s21+$0xFFFFFFE0] =	vst v10  }
0x2f: {  	v10 =	vld [tilespmem:s23+$0xFFFFFFF0];
	_ =	sdelay $0x4  }
0x30: {  	vm1 =	vlt.s32 v10, $0x0;
	v11 =	vxor.u32 $0xFFFFFFFF, v10;
	v10 =	vor.u32 $0x80000000, v10  }
0x31: {  	v10 =	vsel vm1, v11, v10  }
0x32: {  	[tilespmem:s21+$0xFFFFFFF0] =	vst v10  }
0x33: {  	v10 =	vld [tilespmem:s23+$0x0];
	_ =	sdelay $0x4  }
0x34: {  	vm1 =	vlt.s32 v10, $0x0;
	v11 =	vxor.u32 $0xFFFFFFFF, v10;
	v10 =	vor.u32 $0x80000000, v10  }
0x35: {  	v10 =	vsel vm1, v11, v10  }
0x36: {  	[tilespmem:s21+$0x0] =	vst v10  }
0x37: {  	v10 =	vld [tilespmem:s23+$0x10];
	_ =	sdelay $0x2  }
.Ltmp0:
0x38: {  	(pc) =	sbr.rel @p0 .LBB2_2-.Ltmp0, $4  }
0x39: {  	_ = 	snop  }
0x3a: {  	vm1 =	vlt.s32 v10, $0x0;
	v11 =	vxor.u32 $0xFFFFFFFF, v10;
	v10 =	vor.u32 $0x80000000, v10  }
0x3b: {  	v10 =	vsel vm1, v11, v10  }
0x3c: {  	s23 =	sadd.s32 $0x40, s23;
	[tilespmem:s21+$0x10] =	vst v10  }
0x3d: {  	_ =	strace $0x90000049;
	[tilespmem:$0x6080] =	vst v4  }
0x3e: {  	[tilespmem:$0x6090] =	vst v4  }
0x3f: {  	[tilespmem:$0x60A0] =	vst v4  }
0x40: {  	[tilespmem:$0x60B0] =	vst v4  }
0x41: {  	[tilespmem:$0x60C0] =	vst v4  }
0x42: {  	[tilespmem:$0x60D0] =	vst v4  }
0x43: {  	[tilespmem:$0x60E0] =	vst v4  }
0x44: {  	[tilespmem:$0x60F0] =	vst v4  }
0x45: {  	[tilespmem:$0x6100] =	vst v4  }
0x46: {  	[tilespmem:$0x6110] =	vst v4  }
0x47: {  	[tilespmem:$0x6120] =	vst v4  }
0x48: {  	[tilespmem:$0x6130] =	vst v4  }
0x49: {  	[tilespmem:$0x6140] =	vst v4  }
0x4a: {  	[tilespmem:$0x6150] =	vst v4  }
0x4b: {  	[tilespmem:$0x6160] =	vst v4  }
0x4c: {  	[tilespmem:$0x6170] =	vst v4  }
0x4d: {  	s21 =	simm.s32 $0xFFFFFFFC;
	s22 =	simm.s32 $0x2020;
	_ =	strace $0x8000004A  }
.LBB2_4:
0x4e: {  	v10 =	vld [tilespmem:s22+$0xFFFFFFE0];
	_ =	sdelay $0x4  }
0x4f: {  	v10 =	vshrl.u32 v10, $0x18;
	_ =	sdelay $0x4  }
0x50: {  	[tilespmem:v10+s13+$0x0] =	vst.idx.add.s32.msk $0xffff, v5  }
0x51: {  	v10 =	vld [tilespmem:s22+$0xFFFFFFF0];
	_ =	sdelay $0x4  }
0x52: {  	v10 =	vshrl.u32 v10, $0x18;
	_ =	sdelay $0x4  }
0x53: {  	[tilespmem:v10+s13+$0x0] =	vst.idx.add.s32.msk $0xffff, v5  }
0x54: {  	v10 =	vld [tilespmem:s22+$0x0];
	_ =	sdelay $0x4  }
0x55: {  	v10 =	vshrl.u32 v10, $0x18;
	_ =	sdelay $0x4  }
0x56: {  	[tilespmem:v10+s13+$0x0] =	vst.idx.add.s32.msk $0xffff, v5  }
0x57: {  	v10 =	vld [tilespmem:s22+$0x10];
	_ =	sdelay $0x3  }
0x58: {  	s21 =	sadd.s32 $0x4, s21  }
0x59: {  	p0 =	slt.u32 s21, $0x1FC;
	v10 =	vshrl.u32 v10, $0x18  }
.Ltmp1:
0x5a: {  	_ = 	snop;
	(pc) =	sbr.rel @p0 .LBB2_4-.Ltmp1, $2  }
0x5b: {  	_ =	sdelay $0x2  }
0x5c: {  	s22 =	sadd.s32 $0x40, s22;
	[tilespmem:v10+s13+$0x0] =	vst.idx.add.s32.msk $0xffff, v5  }
0x5d: {  	_ =	strace $0x9000004A  }
0x5e: {  	s21 =	simm.s32 $0x6170;
	_ =	strace $0x8000004B  }
0x5f: {  	v10 =	vld [tilespmem:s21+$0x0];
	_ =	sdelay $0x4  }
0x60: {  	v10 =	vperm.xlane v10, v6;
	_ =	sdelay $0x1  }
0x61: {  	(xrf0) =	vadd.scan.msk.s32 $0xffff, v10;
	_ =	sdelay $0x5  }
0x62: {  	s22 =	simm.s32 $0x0;
	v11, _, _ =	vpop (xrf0)  }
0x63: {  	v12 =	vadd.s32 s22, v11  }
0x64: {  	v11 =	vxor.u32 $0x80000000, v11;
	v10 =	vsub.s32 v12, v10  }
0x65: {  	s25 =	simm.s32 $0xFF;
	(xrf0) =	vmax.scan.msk.u32 $0xffff, v11;
	vm2 =	vgt.s32 v12, $0x3FF;
	vm1 =	vlt.s32 v10, $0x400  }
0x66: {  	v11 =	vadd.s32 s25, v2;
	vm1 =	vmand vm2, vm1  }
0x67: {  	v11 =	vnsel vm1, s22, v11  }
0x68: {  	v11 =	vxor.u32 $0x80000000, v11;
	_ =	sdelay $0x2  }
0x69: {  	(xrf0) =	vmax.scan.msk.u32 $0xffff, v11;
	v11, _, _ =	vpop (xrf0)  }
0x6a: {  	(v2sf) =	vpush v11, $0xF;
	_ =	sdelay $0x5  }
0x6b: {  	v10 =	vnsel vm1, s22, v10  }
0x6c: {  	v10 =	vxor.u32 $0x80000000, v10  }
0x6d: {  	(xrf0) =	vmax.scan.msk.u32 $0xffff, v10;
	_ =	sdelay $0x2  }
0x6e: {  	s21 =	simm.s32 $0x6160  }
0x6f: {  	v11 =	vld [tilespmem:s21+$0x0];
	v62, _, _ =	vpop (xrf0)  }
0x70: {  	(v2sf) =	vpush v62, $0xF  }
0x71: {  	v10, _, _ =	vpop (xrf0)  }
0x72: {  	s26 =	spop (v2sf);
	(v2sf) =	vpush v10, $0xF;
	_ =	sdelay $0x1  }
0x73: {  	v11 =	vperm.xlane v11, v6;
	_ =	sdelay $0x1  }
0x74: {  	(xrf0) =	vadd.scan.msk.s32 $0xffff, v11;
	_ =	sdelay $0x4  }
0x75: {  	s22 =	sadd.s32 $0x0, s26  }
0x76: {  	v63, _, _ =	vpop (xrf0);
	s22 =	sadd.s32 $0x80000000, s22  }
0x77: {  	v13 =	vadd.s32 s22, v63  }
0x78: {  	s23 =	simm.s32 $0xEF;
	v12 =	vxor.u32 $0x80000000, v63;
	v11 =	vsub.s32 v13, v11  }
0x79: {  	v10 =	vadd.s32 s23, v2;
	s23 =	simm.s32 $0xDF;
	(xrf0) =	vmax.scan.msk.u32 $0xffff, v12;
	vm2 =	vgt.s32 v13, $0x3FF;
	s24 =	spop (v2sf);
	vm1 =	vlt.s32 v11, $0x400  }
.LBB2_6:
0x7a: {  	s26 =	smov.u32 s23  }
0x7b: {  	v12 =	vadd.s32 s23, v2;
	vm1 =	vmand vm2, vm1;
	s24 =	sxor.u32 $0x80000000, s24;
	s25 =	spop (v2sf);
	s26 =	sadd.s32 $0xFFFFFFF0, s23  }
0x7c: {  	p0 =	sne.s32 s23, $0xF;
	v13 =	vnsel vm1, s24, v10;
	s23 =	sxor.u32 $0x80000000, s25;
	v10 =	vmov v12  }
0x7d: {  	v12 =	vxor.u32 $0x80000000, v13;
	v14 =	vnsel vm1, s23, v11  }
0x7e: {  	v13 =	vxor.u32 $0x80000000, v14;
	(xrf0) =	vmax.scan.msk.u32 $0xffff, v12  }
0x7f: {  	(xrf0) =	vmax.scan.msk.u32 $0xffff, v13;
	v11, _, _ =	vpop (xrf0)  }
0x80: {  	(v2sf) =	vpush v11, $0xF;
	_ =	sdelay $0x2  }
0x81: {  	s21 =	sadd.s32 $0xFFFFFFF0, s21  }
0x82: {  	v11 =	vld [tilespmem:s21+$0x0];
	v12, _, _ =	vpop (xrf0)  }
0x83: {  	(v2sf) =	vpush v12, $0xF;
	v12, _, _ =	vpop (xrf0)  }
0x84: {  	(v2sf) =	vpush v12, $0xF;
	_ =	sdelay $0x2  }
0x85: {  	v11 =	vperm.xlane v11, v6;
	_ =	sdelay $0x1  }
0x86: {  	(xrf0) =	vadd.scan.msk.s32 $0xffff, v11;
	_ =	sdelay $0x3  }
0x87: {  	s23 =	spop (v2sf)  }
.Ltmp2:
0x88: {  	s22 =	sadd.s32 s23, s22;
	(pc) =	sbr.rel @p0 .LBB2_6-.Ltmp2, $4  }
0x89: {  	v12, _, _ =	vpop (xrf0);
	s22 =	sadd.s32 $0x80000000, s22  }
0x8a: {  	v13 =	vadd.s32 s22, v12;
	v12 =	vxor.u32 $0x80000000, v12  }
0x8b: {  	v11 =	vsub.s32 v13, v11;
	(xrf0) =	vmax.scan.msk.u32 $0xffff, v12  }
0x8c: {  	s23 =	smov.u32 s26;
	vm2 =	vgt.s32 v13, $0x3FF;
	vm1 =	vlt.s32 v11, $0x400;
	s24 =	spop (v2sf)  }
0x8d: {  	vm1 =	vmand vm2, vm1;
	s21 =	sxor.u32 $0x80000000, s24;
	s22 =	spop (v2sf)  }
0x8e: {  	v10 =	vnsel vm1, s21, v10;
	s23 =	sxor.u32 $0x80000000, s22  }
0x8f: {  	v10 =	vxor.u32 $0x80000000, v10;
	v11 =	vnsel vm1, s23, v11  }
0x90: {  	v11 =	vxor.u32 $0x80000000, v11;
	(xrf0) =	vmax.scan.msk.u32 $0xffff, v10  }
0x91: {  	(xrf0) =	vmax.scan.msk.u32 $0xffff, v11;
	_ =	sdelay $0x3  }
0x92: {  	v10, _, _ =	vpop (xrf0)  }
0x93: {  	(v2sf) =	vpush v10, $0xF;
	v10, _, _ =	vpop (xrf0)  }
0x94: {  	(v2sf) =	vpush v10, $0xF;
	v10, _, _ =	vpop (xrf0)  }
0x95: {  	(v2sf) =	vpush v10, $0xF;
	_ =	sdelay $0xc  }
0x96: {  	s24 =	spop (v2sf)  }
0x97: {  	s21 =	spop (v2sf)  }
0x98: {  	s22 =	spop (v2sf)  }
0x99: {  	_ =	strace $0x9000004B  }
0x9a: {  	s23 =	simm.s32 $0x2020;
	_ =	strace $0x8000004C  }
0x9b: {  	v11 =	vld [tilespmem:s23+$0xFFFFFFE0];
	_ =	sdelay $0x3  }
0x9c: {  	s25 =	sxor.u32 $0x80000000, s21  }
0x9d: {  	v10 =	vmov s25;
	v12 =	vshrl.u32 v11, $0x18  }
0x9e: {  	s26 =	simm.s32 $0x0;
	vm1 =	veq.s32 v12, v10  }
0x9f: {  	[tilespmem:s26+$0x4000] =	vst.msk vm1, v11;
	v11 =	vmpcnt.ones.xlane vm1  }
0xa0: {  	v12 =	vld [tilespmem:s23+$0xFFFFFFF0]  }
0xa1: {  	v11 =	vxor.u32 $0x80000000, v11  }
0xa2: {  	(xrf0) =	vmax.scan.msk.u32 $0xffff, v11;
	_ =	sdelay $0x2  }
0xa3: {  	v11 =	vshrl.u32 v12, $0x18  }
0xa4: {  	vm1 =	veq.s32 v11, v10  }
0xa5: {  	v11 =	vmpcnt.ones.xlane vm1  }
0xa6: {  	v13, _, _ =	vpop (xrf0)  }
0xa7: {  	v11 =	vxor.u32 $0x80000000, v11;
	(v2sf) =	vpush v13, $0xF  }
0xa8: {  	(xrf0) =	vmax.scan.msk.u32 $0xffff, v11;
	_ =	sdelay $0x5  }
0xa9: {  	v11, _, _ =	vpop (xrf0)  }
0xaa: {  	(v2sf) =	vpush v11, $0xF;
	_ =	sdelay $0x6  }
0xab: {  	s25 =	spop (v2sf)  }
0xac: {  	s24 =	sadd.s32 $0x0, s25  }
0xad: {  	s24 =	sadd.s32 $0x80000000, s24  }
0xae: {  	[tilespmem:s24+$0x4000] =	vst.msk vm1, v12  }
0xaf: {  	v11 =	vld [tilespmem:s23+$0x0];
	_ =	sdelay $0x3  }
0xb0: {  	s25 =	spop (v2sf)  }
0xb1: {  	s24 =	sadd.s32 s25, s24;
	v12 =	vshrl.u32 v11, $0x18  }
0xb2: {  	s24 =	sadd.s32 $0x80000000, s24;
	vm1 =	veq.s32 v12, v10  }
0xb3: {  	[tilespmem:s24+$0x4000] =	vst.msk vm1, v11;
	v11 =	vmpcnt.ones.xlane vm1  }
0xb4: {  	v12 =	vld [tilespmem:s23+$0x10]  }
0xb5: {  	v11 =	vxor.u32 $0x80000000, v11  }
0xb6: {  	(xrf0) =	vmax.scan.msk.u32 $0xffff, v11;
	_ =	sdelay $0x2  }
0xb7: {  	v11 =	vshrl.u32 v12, $0x18  }
0xb8: {  	vm1 =	veq.s32 v11, v10  }
0xb9: {  	v11 =	vmpcnt.ones.xlane vm1  }
0xba: {  	v13, _, _ =	vpop (xrf0)  }
0xbb: {  	v11 =	vxor.u32 $0x80000000, v11;
	(v2sf) =	vpush v13, $0xF  }
0xbc: {  	(xrf0) =	vmax.scan.msk.u32 $0xffff, v11;
	_ =	sdelay $0x5  }
0xbd: {  	v11, _, _ =	vpop (xrf0)  }
0xbe: {  	(v2sf) =	vpush v11, $0xF;
	_ =	sdelay $0x6  }
0xbf: {  	s26 =	spop (v2sf)  }
0xc0: {  	s23 =	sadd.s32 s26, s24  }
0xc1: {  	s25 =	sadd.s32 $0x80000000, s23  }
0xc2: {  	s23 =	simm.s32 $0x2060;
	[tilespmem:s25+$0x4000] =	vst.msk vm1, v12  }
0xc3: {  	v11 =	vld [tilespmem:s23+$0xFFFFFFE0];
	_ =	sdelay $0x3  }
0xc4: {  	s26 =	spop (v2sf)  }
0xc5: {  	s22 =	sxor.u32 $0x80000000, s22;
	s24 =	simm.s32 $0x4;
	v12 =	vshrl.u32 v11, $0x18;
	s25 =	sadd.s32 s26, s25  }
.LBB2_8:
0xc6: {  	s24 =	sadd.s32 $0x4, s24;
	vm1 =	veq.s32 v12, v10;
	s25 =	sadd.s32 $0x80000000, s25  }
0xc7: {  	p0 =	slt.u32 s24, $0x1FC;
	[tilespmem:s25+$0x4000] =	vst.msk vm1, v11;
	v11 =	vmpcnt.ones.xlane vm1  }
0xc8: {  	v12 =	vld [tilespmem:s23+$0xFFFFFFF0]  }
0xc9: {  	v11 =	vxor.u32 $0x80000000, v11  }
0xca: {  	(xrf0) =	vmax.scan.msk.u32 $0xffff, v11;
	_ =	sdelay $0x2  }
0xcb: {  	v11 =	vshrl.u32 v12, $0x18  }
0xcc: {  	vm1 =	veq.s32 v11, v10  }
0xcd: {  	v11 =	vmpcnt.ones.xlane vm1  }
0xce: {  	v13, _, _ =	vpop (xrf0)  }
0xcf: {  	v11 =	vxor.u32 $0x80000000, v11;
	(v2sf) =	vpush v13, $0xF  }
0xd0: {  	(xrf0) =	vmax.scan.msk.u32 $0xffff, v11;
	_ =	sdelay $0x5  }
0xd1: {  	v11, _, _ =	vpop (xrf0)  }
0xd2: {  	(v2sf) =	vpush v11, $0xF;
	_ =	sdelay $0x6  }
0xd3: {  	s26 =	spop (v2sf)  }
0xd4: {  	s25 =	sadd.s32 s26, s25  }
0xd5: {  	s25 =	sadd.s32 $0x80000000, s25  }
0xd6: {  	[tilespmem:s25+$0x4000] =	vst.msk vm1, v12  }
0xd7: {  	v11 =	vld [tilespmem:s23+$0x0];
	_ =	sdelay $0x3  }
0xd8: {  	s26 =	spop (v2sf)  }
0xd9: {  	s25 =	sadd.s32 s26, s25;
	v12 =	vshrl.u32 v11, $0x18  }
0xda: {  	s25 =	sadd.s32 $0x80000000, s25;
	vm1 =	veq.s32 v12, v10  }
0xdb: {  	[tilespmem:s25+$0x4000] =	vst.msk vm1, v11;
	v11 =	vmpcnt.ones.xlane vm1  }
0xdc: {  	v12 =	vld [tilespmem:s23+$0x10]  }
0xdd: {  	v11 =	vxor.u32 $0x80000000, v11  }
0xde: {  	(xrf0) =	vmax.scan.msk.u32 $0xffff, v11;
	_ =	sdelay $0x2  }
0xdf: {  	v11 =	vshrl.u32 v12, $0x18  }
0xe0: {  	vm1 =	veq.s32 v11, v10  }
0xe1: {  	v11 =	vmpcnt.ones.xlane vm1  }
0xe2: {  	v13, _, _ =	vpop (xrf0)  }
0xe3: {  	v11 =	vxor.u32 $0x80000000, v11;
	(v2sf) =	vpush v13, $0xF  }
0xe4: {  	(xrf0) =	vmax.scan.msk.u32 $0xffff, v11;
	_ =	sdelay $0x5  }
0xe5: {  	v11, _, _ =	vpop (xrf0)  }
0xe6: {  	(v2sf) =	vpush v11, $0xF;
	_ =	sdelay $0x6  }
0xe7: {  	s26 =	spop (v2sf)  }
0xe8: {  	s25 =	sadd.s32 s26, s25  }
0xe9: {  	s25 =	sadd.s32 $0x80000000, s25  }
0xea: {  	s23 =	sadd.s32 $0x40, s23;
	[tilespmem:s25+$0x4000] =	vst.msk vm1, v12  }
0xeb: {  	v11 =	vld [tilespmem:s23+$0xFFFFFFE0]  }
.Ltmp3:
0xec: {  	(pc) =	sbr.rel @p0 .LBB2_8-.Ltmp3, $3  }
0xed: {  	_ =	sdelay $0x1  }
0xee: {  	s26 =	spop (v2sf)  }
0xef: {  	v12 =	vshrl.u32 v11, $0x18;
	s25 =	sadd.s32 s26, s25  }
0xf0: {  	vm1 =	veq.s32 v12, v10;
	s24 =	sadd.s32 $0x80000000, s25  }
0xf1: {  	[tilespmem:s24+$0x4000] =	vst.msk vm1, v11;
	v11 =	vmpcnt.ones.xlane vm1  }
0xf2: {  	v12 =	vld [tilespmem:s23+$0xFFFFFFF0]  }
0xf3: {  	v11 =	vxor.u32 $0x80000000, v11  }
0xf4: {  	(xrf0) =	vmax.scan.msk.u32 $0xffff, v11;
	_ =	sdelay $0x2  }
0xf5: {  	v11 =	vshrl.u32 v12, $0x18  }
0xf6: {  	vm1 =	veq.s32 v11, v10  }
0xf7: {  	v11 =	vmpcnt.ones.xlane vm1  }
0xf8: {  	v13, _, _ =	vpop (xrf0)  }
0xf9: {  	v11 =	vxor.u32 $0x80000000, v11;
	(v2sf) =	vpush v13, $0xF  }
0xfa: {  	(xrf0) =	vmax.scan.msk.u32 $0xffff, v11;
	_ =	sdelay $0x5  }
0xfb: {  	v11, _, _ =	vpop (xrf0)  }
0xfc: {  	(v2sf) =	vpush v11, $0xF;
	_ =	sdelay $0x6  }
0xfd: {  	s26 =	spop (v2sf)  }
0xfe: {  	s24 =	sadd.s32 s26, s24  }
0xff: {  	s24 =	sadd.s32 $0x80000000, s24  }
0x100: {  	[tilespmem:s24+$0x4000] =	vst.msk vm1, v12  }
0x101: {  	v11 =	vld [tilespmem:s23+$0x0];
	_ =	sdelay $0x3  }
0x102: {  	s26 =	spop (v2sf)  }
0x103: {  	s24 =	sadd.s32 s26, s24;
	v12 =	vshrl.u32 v11, $0x18  }
0x104: {  	s24 =	sadd.s32 $0x80000000, s24;
	vm1 =	veq.s32 v12, v10  }
0x105: {  	[tilespmem:s24+$0x4000] =	vst.msk vm1, v11  }
0x106: {  	v11 =	vld [tilespmem:s23+$0x10];
	_ =	sdelay $0x4  }
0x107: {  	v12 =	vmpcnt.ones.xlane vm1;
	v13 =	vshrl.u32 v11, $0x18  }
0x108: {  	vm1 =	veq.s32 v13, v10  }
0x109: {  	v10 =	vxor.u32 $0x80000000, v12;
	v12 =	vmpcnt.ones.xlane vm1  }
0x10a: {  	(xrf0) =	vmax.scan.msk.u32 $0xffff, v10  }
0x10b: {  	v10 =	vxor.u32 $0x80000000, v12  }
0x10c: {  	(xrf0) =	vmax.scan.msk.u32 $0xffff, v10;
	_ =	sdelay $0x3  }
0x10d: {  	v10, _, _ =	vpop (xrf0)  }
0x10e: {  	(v2sf) =	vpush v10, $0xF  }
0x10f: {  	v10, _, _ =	vpop (xrf0)  }
0x110: {  	(v2sf) =	vpush v10, $0xF;
	_ =	sdelay $0xc  }
0x111: {  	s26 =	spop (v2sf)  }
0x112: {  	s23 =	sadd.s32 s26, s24  }
0x113: {  	s23 =	sadd.s32 $0x80000000, s23;
	s25 =	spop (v2sf)  }
0x114: {  	[tilespmem:s23+$0x4000] =	vst.msk vm1, v11;
	s23 =	sadd.s32 s25, s23  }
0x115: {  	s23 =	sadd.s32 $0x80000000, s23  }
0x116: {  	p0 =	sgt.s32 s23, $0x40  }
.Ltmp4:
0x117: {  	_ =	strace $0x9000004C;
	[tilespmem:s23+$0x4000] =	vst v4;
	(pc) =	sbr.rel @p0 .LBB2_10-.Ltmp4, $4  }
0x118: {  	[tilespmem:s23+$0x4010] =	vst v4  }
0x119: {  	s21 =	sshll.u32 s21, $0x18;
	[tilespmem:s23+$0x4020] =	vst v4  }
0x11a: {  	s22 =	ssub.s32 $0x400, s22;
	s26 =	sor.u32 $0xFFFFFF, s21;
	[tilespmem:s23+$0x4030] =	vst v4  }
0x11b: {  	v12 =	vmov s21;
	v10 =	vmov s26;
	v11 =	vmov s22;
	_ =	strace $0x8000004D  }
0x11c: {  	v15 =	vld [tilespmem:$0x4000]  }
0x11d: {  	v16 =	vld [tilespmem:$0x4010]  }
0x11e: {  	v14 =	vld [tilespmem:$0x4020]  }
0x11f: {  	v13 =	vld [tilespmem:$0x4030];
	v17 =	vsub.s32 v10, v12;
	s21 =	simm.s32 $0x17  }
.LBB2_17:
0x120: {  	p0 =	seq.s32 s21, $0x1;
	v17 =	vshrl.u32 v17, $0x1  }
0x121: {  	v17 =	vadd.s32 v12, v17  }
0x122: {  	vm1 =	vgt.u32 v15, v17;
	vm2 =	vgt.u32 v16, v17;
	v18 =	vadd.s32 $0x1, v17  }
0x123: {  	v19 =	vmpcnt.ones.xlane vm1;
	v20 =	vmpcnt.ones.xlane vm2;
	vm1 =	vgt.u32 v14, v17  }
0x124: {  	v21 =	vmpcnt.ones.xlane vm1;
	vm1 =	vgt.u32 v13, v17  }
0x125: {  	v19 =	vadd.s32 v19, v20;
	v20 =	vmpcnt.ones.xlane vm1  }
0x126: {  	v19 =	vadd.s32 v21, v19  }
.Ltmp5:
0x127: {  	v19 =	vadd.s32 v20, v19;
	(pc) =	sbr.rel @!p0 .LBB2_17-.Ltmp5, $4  }
0x128: {  	vm1 =	vgt.u32 v10, v12;
	vm2 =	vlt.s32 v19, v11;
	vm3 =	vge.s32 v19, v11  }
0x129: {  	vm3 =	vmand vm1, vm3;
	vm1 =	vmand vm1, vm2  }
0x12a: {  	v12 =	vsel vm3, v18, v12;
	v10 =	vsel vm1, v17, v10  }
0x12b: {  	s21 =	sadd.s32 $0xFFFFFFFF, s21;
	v17 =	vsub.s32 v10, v12  }
0x12c: {  	v17 =	vshrl.u32 v17, $0x1  }
0x12d: {  	v17 =	vadd.s32 v12, v17  }
0x12e: {  	vm1 =	vgt.u32 v15, v17;
	vm2 =	vgt.u32 v16, v17  }
0x12f: {  	v15 =	vmpcnt.ones.xlane vm1;
	v16 =	vmpcnt.ones.xlane vm2;
	vm1 =	vgt.u32 v14, v17  }
0x130: {  	v14 =	vmpcnt.ones.xlane vm1;
	vm1 =	vgt.u32 v13, v17  }
0x131: {  	v62 =	vadd.s32 v15, v16;
	v63 =	vmpcnt.ones.xlane vm1  }
0x132: {  	v13 =	vadd.s32 v14, v62  }
0x133: {  	v13 =	vadd.s32 v63, v13  }
0x134: {  	vm1 =	vgt.u32 v10, v12;
	vm2 =	vlt.s32 v13, v11  }
0x135: {  	vm1 =	vmand vm1, vm2  }
0x136: {  	v10 =	vsel vm1, v17, v10  }
.LBB2_19:
0x137: {  	_ =	strace $0x9000004D  }
0x138: {  	s21 =	simm.s32 $0x2020;
	_ =	strace $0x8000004E  }
0x139: {  	v11 =	vld [tilespmem:s21+$0xFFFFFFE0]  }
0x13a: {  	v12 =	vld [tilespmem:s21+$0xFFFFFFF0]  }
0x13b: {  	v14 =	vld [tilespmem:s21+$0x0];
	_ =	sdelay $0x1  }
0x13c: {  	v15 =	vld [tilespmem:s21+$0x10]  }
0x13d: {  	vm1 =	vgt.u32 v11, v10  }
0x13e: {  	s21 =	simm.s32 $0x2060;
	v16 =	vmpcnt.ones.xlane vm1;
	vm1 =	vgt.u32 v12, v10  }
0x13f: {  	v13 =	vld [tilespmem:s21+$0xFFFFFFE0];
	v12 =	vimm.s32 $0x0;
	v17 =	vmpcnt.ones.xlane vm1;
	vm1 =	vgt.u32 v14, v10  }
0x140: {  	v11 =	vld [tilespmem:s21+$0xFFFFFFF0];
	v14 =	vadd.s32 v12, v16;
	v16 =	vmpcnt.ones.xlane vm1  }
0x141: {  	v12 =	vld [tilespmem:s21+$0x0];
	vm1 =	vgt.u32 v15, v10;
	v17 =	vadd.s32 v17, v14  }
0x142: {  	s22 =	simm.s32 $0x4;
	v14 =	vld [tilespmem:s21+$0x10];
	v15 =	vmpcnt.ones.xlane vm1;
	v16 =	vadd.s32 v16, v17  }
.LBB2_20:
0x143: {  	s22 =	sadd.s32 $0x4, s22  }
0x144: {  	vm1 =	vgt.u32 v13, v10;
	s21 =	sadd.s32 $0x40, s21;
	v15 =	vadd.s32 v15, v16;
	p0 =	slt.u32 s22, $0x1FC  }
.Ltmp6:
0x145: {  	v13 =	vld [tilespmem:s21+$0xFFFFFFE0];
	v16 =	vmpcnt.ones.xlane vm1;
	vm1 =	vgt.u32 v11, v10;
	(pc) =	sbr.rel @p0 .LBB2_20-.Ltmp6, $4  }
0x146: {  	v11 =	vld [tilespmem:s21+$0xFFFFFFF0];
	v17 =	vmpcnt.ones.xlane vm1;
	vm1 =	vgt.u32 v12, v10  }
0x147: {  	v12 =	vld [tilespmem:s21+$0x0];
	v15 =	vadd.s32 v15, v16;
	v16 =	vmpcnt.ones.xlane vm1;
	vm1 =	vgt.u32 v14, v10  }
0x148: {  	v14 =	vld [tilespmem:s21+$0x10];
	v17 =	vadd.s32 v17, v15;
	v15 =	vmpcnt.ones.xlane vm1  }
0x149: {  	v16 =	vadd.s32 v16, v17  }
0x14a: {  	vm1 =	vgt.u32 v13, v10  }
0x14b: {  	v13 =	vmpcnt.ones.xlane vm1;
	vm1 =	vgt.u32 v11, v10  }
0x14c: {  	v11 =	vadd.s32 v15, v16;
	v15 =	vmpcnt.ones.xlane vm1;
	vm1 =	vgt.u32 v12, v10  }
0x14d: {  	v11 =	vadd.s32 v11, v13;
	v12 =	vmpcnt.ones.xlane vm1;
	vm1 =	vgt.u32 v14, v10  }
0x14e: {  	v11 =	vadd.s32 v15, v11;
	v13 =	vmpcnt.ones.xlane vm1  }
0x14f: {  	v11 =	vadd.s32 v12, v11  }
0x150: {  	_ =	strace $0x9000004E;
	s21 =	simm.s32 $0xFFFFFFFE;
	s22 =	simm.s32 $0x2010;
	v11 =	vadd.s32 v13, v11  }
0x151: {  	s23 =	simm.s32 $0x10;
	s24 =	smov.u32 s11;
	_ =	strace $0x8000004F;
	v12 =	vimm.s32 $0x0;
	v13 =	vimm.s32 $0x0;
	v11 =	vsub.s32 $0x400, v11  }
.LBB2_22:
0x152: {  	v14 =	vld [tilespmem:s22+$0xFFFFFFF0];
	_ =	sdelay $0x4  }
0x153: {  	vm2 =	veq.s32 v14, v10  }
0x154: {  	v15 =	vsel vm2, $0x1, v4  }
0x155: {  	(xrf0) =	vadd.scan.msk.s32 $0xffff, v15;
	_ =	sdelay $0x4  }
0x156: {  	v15 =	vsel vm2, $0xFFFFFFFF, v4  }
0x157: {  	v15 =	vadd.s32 v15, v13;
	v16, _, _ =	vpop (xrf0)  }
0x158: {  	v15 =	vadd.s32 v16, v15  }
0x159: {  	vm1 =	vlt.s32 v15, v11  }
0x15a: {  	vm3 =	vgt.u32 v14, v10;
	vm1 =	vmand vm2, vm1  }
0x15b: {  	vm1 =	vmor vm3, vm1  }
0x15c: {  	v14 =	vsel vm1, $0x1, v4  }
0x15d: {  	(xrf0) =	vadd.scan.msk.s32 $0xffff, v14;
	_ =	sdelay $0x5  }
0x15e: {  	v15, _, _ =	vpop (xrf0)  }
0x15f: {  	v14 =	vsub.s32 v15, v14  }
0x160: {  	v14 =	vadd.s32 v12, v14  }
0x161: {  	vm3 =	vge.s32 v14, v1;
	vm4 =	vlt.s32 v14, v3;
	v14 =	vsub.s32 v14, v1  }
0x162: {  	vm3 =	vmand vm3, vm4;
	vm12 =	vgt.s32 v14, $0x0  }
0x163: {  	vm3 =	vmand vm1, vm3;
	v14 =	vnsel vm12, $0x0, v14  }
0x164: {  	v14 =	vmin.u32 v14, $0x7F;
	_ =	sdelay $0x2  }
0x165: {  	s25 =	sadd.s32 $0xFFFFFFF0, s24  }
0x166: {  	v15 =	vor.u32 s25, v0  }
0x167: {  	[tilespmem:v14+s15+$0x0] =	vst.idx.msk vm3, v15  }
0x168: {  	v15 =	vld [tilespmem:s23+$0xFFFFFFF0];
	_ =	sdelay $0x4  }
0x169: {  	[tilespmem:v14+s16+$0x0] =	vst.idx.msk vm3, v15  }
0x16a: {  	v14 =	vld [tilespmem:s22+$0x0];
	_ =	sdelay $0x4  }
0x16b: {  	vm3 =	veq.s32 v14, v10  }
0x16c: {  	v15 =	vsel vm3, $0x1, v4  }
0x16d: {  	(xrf0) =	vadd.scan.msk.s32 $0xffff, v15;
	_ =	sdelay $0x2  }
0x16e: {  	v15 =	vmpcnt.ones.xlane vm2;
	_ =	sdelay $0x1  }
0x16f: {  	v13 =	vadd.s32 v13, v15;
	v15 =	vsel vm3, $0xFFFFFFFF, v4  }
0x170: {  	v15 =	vadd.s32 v15, v13;
	v61, _, _ =	vpop (xrf0)  }
0x171: {  	v15 =	vadd.s32 v61, v15  }
0x172: {  	vm2 =	vlt.s32 v15, v11  }
0x173: {  	vm13 =	vgt.u32 v14, v10;
	vm2 =	vmand vm3, vm2  }
0x174: {  	vm2 =	vmor vm13, vm2  }
0x175: {  	v14 =	vsel vm2, $0x1, v4  }
0x176: {  	(xrf0) =	vadd.scan.msk.s32 $0xffff, v14;
	_ =	sdelay $0x4  }
0x177: {  	v15 =	vmpcnt.ones.xlane vm1  }
0x178: {  	v62, _, _ =	vpop (xrf0)  }
0x179: {  	v12 =	vadd.s32 v12, v15;
	v14 =	vsub.s32 v62, v14  }
0x17a: {  	v14 =	vadd.s32 v12, v14  }
0x17b: {  	vm1 =	vge.s32 v14, v1;
	vm14 =	vlt.s32 v14, v3;
	v14 =	vsub.s32 v14, v1  }
0x17c: {  	vm1 =	vmand vm1, vm14;
	vm15 =	vgt.s32 v14, $0x0  }
0x17d: {  	vm1 =	vmand vm2, vm1;
	v14 =	vnsel vm15, $0x0, v14  }
0x17e: {  	v14 =	vmin.u32 v14, $0x7F;
	_ =	sdelay $0x3  }
0x17f: {  	v15 =	vor.u32 s24, v0  }
0x180: {  	s21 =	sadd.s32 $0x2, s21;
	[tilespmem:v14+s15+$0x0] =	vst.idx.msk vm1, v15  }
0x181: {  	p0 =	slt.u32 s21, $0x1FE;
	v15 =	vld [tilespmem:s23+$0x0]  }
.Ltmp7:
0x182: {  	_ = 	snop;
	(pc) =	sbr.rel @p0 .LBB2_22-.Ltmp7, $3  }
0x183: {  	_ = 	snop  }
0x184: {  	v17 =	vmpcnt.ones.xlane vm3;
	v63 =	vmpcnt.ones.xlane vm2;
	_ =	sdelay $0x1  }
0x185: {  	s22 =	sadd.s32 $0x20, s22;
	v13 =	vadd.s32 v13, v17;
	s24 =	sadd.s32 $0x20, s24;
	v12 =	vadd.s32 v12, v63;
	s23 =	sadd.s32 $0x20, s23;
	[tilespmem:v14+s16+$0x0] =	vst.idx.msk vm1, v15  }
0x186: {  	_ =	strace $0x9000004F  }
0x187: {  	_ =	strace $0x80000050  }
0x188: {  	[hbm4b:s5+s3] =	stream.linear.scatter [tilespmem:s15], [sflag:$0x2], $0x80, $0x200038;
	[tilespmem:$0x1E380] =	vst v63  }
0x189: {  	_ =	swait.ge [sflag:s12], $0x80  }
0x18a: {  	[sflag:s12] =	ssyncset.done $0x0  }
0x18b: {  	[sflag:s12] =	ssyncadd.s32 $0xFFFFFF80  }
0x18c: {  	[hbm4b:s6+s3] =	stream.linear.scatter [tilespmem:s16], [sflag:$0x2], $0x80, $0x200038;
	[tilespmem:$0x1E380] =	vst v63  }
0x18d: {  	_ =	swait.ge [sflag:s12], $0x80  }
0x18e: {  	[sflag:s12] =	ssyncset.done $0x0  }
0x18f: {  	[sflag:s12] =	ssyncadd.s32 $0xFFFFFF80  }
0x190: {  	_ =	strace $0x90000050  }
0x191: {  	_ =	strace $0x80000051  }
0x192: {  	v10 =	vld [tilespmem:$0x6180];
	_ =	sdelay $0x4  }
0x193: {  	v11 =	vshrl.u32 v10, $0x3  }
0x194: {  	v11 =	vmul.u32 $0x30, v11  }
0x195: {  	v10 =	vand.u32 $0x7, v10  }
0x196: {  	v10 =	vor.u32 v10, v11  }
0x197: {  	v11 =	vperm.xlane v10, v7;
	_ =	sdelay $0x1  }
0x198: {  	v11 =	vadd.s32 v8, v11;
	_ =	sdelay $0x3  }
0x199: {  	v10 =	vperm.xlane v10, v9  }
0x19a: {  	[tilespmem:s17], [sflag:$0x1] =	stream.indirect_vreg.gather [hbm4b:s2+s3], $0x80, v11, vm0, $0x2000b8;
	[tilespmem:$0x1E380] =	vst v63  }
0x19b: {  	s21 =	simm.s32 $0x6B80;
	v10 =	vadd.s32 v8, v10  }
0x19c: {  	[tilespmem:s21], [sflag:$0x1] =	stream.indirect_vreg.gather [hbm4b:s7+s3], $0x80, v11, vm0, $0x2000b8;
	[tilespmem:$0x1E380] =	vst v63  }
0x19d: {  	s24 =	simm.s32 $0x7380  }
0x19e: {  	[tilespmem:s24], [sflag:$0x1] =	stream.indirect_vreg.gather [hbm4b:s8+s3], $0x80, v11, vm0, $0x2000b8;
	[tilespmem:$0x1E380] =	vst v63  }
0x19f: {  	s25 =	simm.s32 $0x7B80  }
0x1a0: {  	[tilespmem:s25], [sflag:$0x1] =	stream.indirect_vreg.gather [hbm4b:s2+s3], $0x80, v10, vm0, $0x2000b8;
	[tilespmem:$0x1E380] =	vst v63  }
0x1a1: {  	s26 =	simm.s32 $0x8380  }
0x1a2: {  	[tilespmem:s26], [sflag:$0x1] =	stream.indirect_vreg.gather [hbm4b:s7+s3], $0x80, v10, vm0, $0x2000b8;
	[tilespmem:$0x1E380] =	vst v63  }
0x1a3: {  	s22 =	simm.s32 $0x8B80  }
0x1a4: {  	[tilespmem:s22], [sflag:$0x1] =	stream.indirect_vreg.gather [hbm4b:s8+s3], $0x80, v10, vm0, $0x2000b8;
	[tilespmem:$0x1E380] =	vst v63  }
0x1a5: {  	v10 =	vld [tilespmem:$0x6190];
	_ =	sdelay $0x4  }
0x1a6: {  	v11 =	vshrl.u32 v10, $0x3  }
0x1a7: {  	v11 =	vmul.u32 $0x30, v11  }
0x1a8: {  	v10 =	vand.u32 $0x7, v10  }
0x1a9: {  	v10 =	vor.u32 v10, v11  }
0x1aa: {  	v11 =	vperm.xlane v10, v7;
	_ =	sdelay $0x1  }
0x1ab: {  	v11 =	vadd.s32 v8, v11;
	_ =	sdelay $0x3  }
0x1ac: {  	s23 =	simm.s32 $0x9380;
	v10 =	vperm.xlane v10, v9  }
0x1ad: {  	[tilespmem:s23], [sflag:$0x1] =	stream.indirect_vreg.gather [hbm4b:s2+s3], $0x80, v11, vm0, $0x2000b8;
	[tilespmem:$0x1E380] =	vst v63  }
0x1ae: {  	s24 =	simm.s32 $0x9B80;
	v10 =	vadd.s32 v8, v10  }
0x1af: {  	[tilespmem:s24], [sflag:$0x1] =	stream.indirect_vreg.gather [hbm4b:s7+s3], $0x80, v11, vm0, $0x2000b8;
	[tilespmem:$0x1E380] =	vst v63  }
0x1b0: {  	s25 =	simm.s32 $0xA380  }
0x1b1: {  	[tilespmem:s25], [sflag:$0x1] =	stream.indirect_vreg.gather [hbm4b:s8+s3], $0x80, v11, vm0, $0x2000b8;
	[tilespmem:$0x1E380] =	vst v63  }
0x1b2: {  	s26 =	simm.s32 $0xAB80  }
0x1b3: {  	[tilespmem:s26], [sflag:$0x1] =	stream.indirect_vreg.gather [hbm4b:s2+s3], $0x80, v10, vm0, $0x2000b8;
	[tilespmem:$0x1E380] =	vst v63  }
0x1b4: {  	s22 =	simm.s32 $0xB380  }
0x1b5: {  	[tilespmem:s22], [sflag:$0x1] =	stream.indirect_vreg.gather [hbm4b:s7+s3], $0x80, v10, vm0, $0x2000b8;
	[tilespmem:$0x1E380] =	vst v63  }
0x1b6: {  	s23 =	simm.s32 $0xBB80  }
0x1b7: {  	[tilespmem:s23], [sflag:$0x1] =	stream.indirect_vreg.gather [hbm4b:s8+s3], $0x80, v10, vm0, $0x2000b8;
	[tilespmem:$0x1E380] =	vst v63  }
0x1b8: {  	v10 =	vld [tilespmem:$0x61A0];
	_ =	sdelay $0x4  }
0x1b9: {  	v11 =	vshrl.u32 v10, $0x3  }
0x1ba: {  	v11 =	vmul.u32 $0x30, v11  }
0x1bb: {  	v10 =	vand.u32 $0x7, v10  }
0x1bc: {  	v10 =	vor.u32 v10, v11  }
0x1bd: {  	v11 =	vperm.xlane v10, v7;
	_ =	sdelay $0x1  }
0x1be: {  	v11 =	vadd.s32 v8, v11;
	_ =	sdelay $0x3  }
0x1bf: {  	s24 =	simm.s32 $0xC380;
	v10 =	vperm.xlane v10, v9  }
0x1c0: {  	[tilespmem:s24], [sflag:$0x1] =	stream.indirect_vreg.gather [hbm4b:s2+s3], $0x80, v11, vm0, $0x2000b8;
	[tilespmem:$0x1E380] =	vst v63  }
0x1c1: {  	s25 =	simm.s32 $0xCB80;
	v10 =	vadd.s32 v8, v10  }
0x1c2: {  	[tilespmem:s25], [sflag:$0x1] =	stream.indirect_vreg.gather [hbm4b:s7+s3], $0x80, v11, vm0, $0x2000b8;
	[tilespmem:$0x1E380] =	vst v63  }
0x1c3: {  	s26 =	simm.s32 $0xD380  }
0x1c4: {  	[tilespmem:s26], [sflag:$0x1] =	stream.indirect_vreg.gather [hbm4b:s8+s3], $0x80, v11, vm0, $0x2000b8;
	[tilespmem:$0x1E380] =	vst v63  }
0x1c5: {  	s22 =	simm.s32 $0xDB80  }
0x1c6: {  	[tilespmem:s22], [sflag:$0x1] =	stream.indirect_vreg.gather [hbm4b:s2+s3], $0x80, v10, vm0, $0x2000b8;
	[tilespmem:$0x1E380] =	vst v63  }
0x1c7: {  	s23 =	simm.s32 $0xE380  }
0x1c8: {  	[tilespmem:s23], [sflag:$0x1] =	stream.indirect_vreg.gather [hbm4b:s7+s3], $0x80, v10, vm0, $0x2000b8;
	[tilespmem:$0x1E380] =	vst v63  }
0x1c9: {  	s24 =	simm.s32 $0xEB80  }
0x1ca: {  	[tilespmem:s24], [sflag:$0x1] =	stream.indirect_vreg.gather [hbm4b:s8+s3], $0x80, v10, vm0, $0x2000b8;
	[tilespmem:$0x1E380] =	vst v63  }
0x1cb: {  	v10 =	vld [tilespmem:$0x61B0];
	_ =	sdelay $0x4  }
0x1cc: {  	v11 =	vshrl.u32 v10, $0x3  }
0x1cd: {  	v11 =	vmul.u32 $0x30, v11  }
0x1ce: {  	v10 =	vand.u32 $0x7, v10  }
0x1cf: {  	v10 =	vor.u32 v10, v11  }
0x1d0: {  	v11 =	vperm.xlane v10, v7;
	_ =	sdelay $0x1  }
0x1d1: {  	v11 =	vadd.s32 v8, v11;
	_ =	sdelay $0x3  }
0x1d2: {  	s25 =	simm.s32 $0xF380;
	v10 =	vperm.xlane v10, v9  }
0x1d3: {  	[tilespmem:s25], [sflag:$0x1] =	stream.indirect_vreg.gather [hbm4b:s2+s3], $0x80, v11, vm0, $0x2000b8;
	[tilespmem:$0x1E380] =	vst v63  }
0x1d4: {  	s26 =	simm.s32 $0xFB80;
	v10 =	vadd.s32 v8, v10  }
0x1d5: {  	[tilespmem:s26], [sflag:$0x1] =	stream.indirect_vreg.gather [hbm4b:s7+s3], $0x80, v11, vm0, $0x2000b8;
	[tilespmem:$0x1E380] =	vst v63  }
0x1d6: {  	s22 =	simm.s32 $0x10380  }
0x1d7: {  	[tilespmem:s22], [sflag:$0x1] =	stream.indirect_vreg.gather [hbm4b:s8+s3], $0x80, v11, vm0, $0x2000b8;
	[tilespmem:$0x1E380] =	vst v63  }
0x1d8: {  	s23 =	simm.s32 $0x10B80  }
0x1d9: {  	[tilespmem:s23], [sflag:$0x1] =	stream.indirect_vreg.gather [hbm4b:s2+s3], $0x80, v10, vm0, $0x2000b8;
	[tilespmem:$0x1E380] =	vst v63  }
0x1da: {  	s24 =	simm.s32 $0x11380  }
0x1db: {  	[tilespmem:s24], [sflag:$0x1] =	stream.indirect_vreg.gather [hbm4b:s7+s3], $0x80, v10, vm0, $0x2000b8;
	[tilespmem:$0x1E380] =	vst v63  }
0x1dc: {  	s25 =	simm.s32 $0x11B80  }
0x1dd: {  	[tilespmem:s25], [sflag:$0x1] =	stream.indirect_vreg.gather [hbm4b:s8+s3], $0x80, v10, vm0, $0x2000b8;
	[tilespmem:$0x1E380] =	vst v63  }
0x1de: {  	v10 =	vld [tilespmem:$0x61C0];
	_ =	sdelay $0x4  }
0x1df: {  	v11 =	vshrl.u32 v10, $0x3  }
0x1e0: {  	v11 =	vmul.u32 $0x30, v11  }
0x1e1: {  	v10 =	vand.u32 $0x7, v10  }
0x1e2: {  	v10 =	vor.u32 v10, v11  }
0x1e3: {  	v11 =	vperm.xlane v10, v7;
	_ =	sdelay $0x1  }
0x1e4: {  	v11 =	vadd.s32 v8, v11;
	_ =	sdelay $0x3  }
0x1e5: {  	s26 =	simm.s32 $0x12380;
	v10 =	vperm.xlane v10, v9  }
0x1e6: {  	[tilespmem:s26], [sflag:$0x1] =	stream.indirect_vreg.gather [hbm4b:s2+s3], $0x80, v11, vm0, $0x2000b8;
	[tilespmem:$0x1E380] =	vst v63  }
0x1e7: {  	s22 =	simm.s32 $0x12B80;
	v10 =	vadd.s32 v8, v10  }
0x1e8: {  	[tilespmem:s22], [sflag:$0x1] =	stream.indirect_vreg.gather [hbm4b:s7+s3], $0x80, v11, vm0, $0x2000b8;
	[tilespmem:$0x1E380] =	vst v63  }
0x1e9: {  	s23 =	simm.s32 $0x13380  }
0x1ea: {  	[tilespmem:s23], [sflag:$0x1] =	stream.indirect_vreg.gather [hbm4b:s8+s3], $0x80, v11, vm0, $0x2000b8;
	[tilespmem:$0x1E380] =	vst v63  }
0x1eb: {  	s24 =	simm.s32 $0x13B80  }
0x1ec: {  	[tilespmem:s24], [sflag:$0x1] =	stream.indirect_vreg.gather [hbm4b:s2+s3], $0x80, v10, vm0, $0x2000b8;
	[tilespmem:$0x1E380] =	vst v63  }
0x1ed: {  	s25 =	simm.s32 $0x14380  }
0x1ee: {  	[tilespmem:s25], [sflag:$0x1] =	stream.indirect_vreg.gather [hbm4b:s7+s3], $0x80, v10, vm0, $0x2000b8;
	[tilespmem:$0x1E380] =	vst v63  }
0x1ef: {  	s26 =	simm.s32 $0x14B80  }
0x1f0: {  	[tilespmem:s26], [sflag:$0x1] =	stream.indirect_vreg.gather [hbm4b:s8+s3], $0x80, v10, vm0, $0x2000b8;
	[tilespmem:$0x1E380] =	vst v63  }
0x1f1: {  	v10 =	vld [tilespmem:$0x61D0];
	_ =	sdelay $0x4  }
0x1f2: {  	v11 =	vshrl.u32 v10, $0x3  }
0x1f3: {  	v11 =	vmul.u32 $0x30, v11  }
0x1f4: {  	v10 =	vand.u32 $0x7, v10  }
0x1f5: {  	v10 =	vor.u32 v10, v11  }
0x1f6: {  	v11 =	vperm.xlane v10, v7;
	_ =	sdelay $0x1  }
0x1f7: {  	v11 =	vadd.s32 v8, v11;
	_ =	sdelay $0x3  }
0x1f8: {  	s22 =	simm.s32 $0x15380;
	v10 =	vperm.xlane v10, v9  }
0x1f9: {  	[tilespmem:s22], [sflag:$0x1] =	stream.indirect_vreg.gather [hbm4b:s2+s3], $0x80, v11, vm0, $0x2000b8;
	[tilespmem:$0x1E380] =	vst v63  }
0x1fa: {  	s23 =	simm.s32 $0x15B80;
	v10 =	vadd.s32 v8, v10  }
0x1fb: {  	[tilespmem:s23], [sflag:$0x1] =	stream.indirect_vreg.gather [hbm4b:s7+s3], $0x80, v11, vm0, $0x2000b8;
	[tilespmem:$0x1E380] =	vst v63  }
0x1fc: {  	s24 =	simm.s32 $0x16380  }
0x1fd: {  	[tilespmem:s24], [sflag:$0x1] =	stream.indirect_vreg.gather [hbm4b:s8+s3], $0x80, v11, vm0, $0x2000b8;
	[tilespmem:$0x1E380] =	vst v63  }
0x1fe: {  	s25 =	simm.s32 $0x16B80  }
0x1ff: {  	[tilespmem:s25], [sflag:$0x1] =	stream.indirect_vreg.gather [hbm4b:s2+s3], $0x80, v10, vm0, $0x2000b8;
	[tilespmem:$0x1E380] =	vst v63  }
0x200: {  	s26 =	simm.s32 $0x17380  }
0x201: {  	[tilespmem:s26], [sflag:$0x1] =	stream.indirect_vreg.gather [hbm4b:s7+s3], $0x80, v10, vm0, $0x2000b8;
	[tilespmem:$0x1E380] =	vst v63  }
0x202: {  	s22 =	simm.s32 $0x17B80  }
0x203: {  	[tilespmem:s22], [sflag:$0x1] =	stream.indirect_vreg.gather [hbm4b:s8+s3], $0x80, v10, vm0, $0x2000b8;
	[tilespmem:$0x1E380] =	vst v63  }
0x204: {  	v10 =	vld [tilespmem:$0x61E0];
	_ =	sdelay $0x4  }
0x205: {  	v11 =	vshrl.u32 v10, $0x3  }
0x206: {  	v11 =	vmul.u32 $0x30, v11  }
0x207: {  	v10 =	vand.u32 $0x7, v10  }
0x208: {  	v10 =	vor.u32 v10, v11  }
0x209: {  	v11 =	vperm.xlane v10, v7;
	_ =	sdelay $0x1  }
0x20a: {  	v11 =	vadd.s32 v8, v11;
	_ =	sdelay $0x3  }
0x20b: {  	s23 =	simm.s32 $0x18380;
	v10 =	vperm.xlane v10, v9  }
0x20c: {  	[tilespmem:s23], [sflag:$0x1] =	stream.indirect_vreg.gather [hbm4b:s2+s3], $0x80, v11, vm0, $0x2000b8;
	[tilespmem:$0x1E380] =	vst v63  }
0x20d: {  	s24 =	simm.s32 $0x18B80;
	v10 =	vadd.s32 v8, v10  }
0x20e: {  	[tilespmem:s24], [sflag:$0x1] =	stream.indirect_vreg.gather [hbm4b:s7+s3], $0x80, v11, vm0, $0x2000b8;
	[tilespmem:$0x1E380] =	vst v63  }
0x20f: {  	s25 =	simm.s32 $0x19380  }
0x210: {  	[tilespmem:s25], [sflag:$0x1] =	stream.indirect_vreg.gather [hbm4b:s8+s3], $0x80, v11, vm0, $0x2000b8;
	[tilespmem:$0x1E380] =	vst v63  }
0x211: {  	s26 =	simm.s32 $0x19B80  }
0x212: {  	[tilespmem:s26], [sflag:$0x1] =	stream.indirect_vreg.gather [hbm4b:s2+s3], $0x80, v10, vm0, $0x2000b8;
	[tilespmem:$0x1E380] =	vst v63  }
0x213: {  	_ = 	snop  }
0x214: {  	[tilespmem:s28], [sflag:$0x1] =	stream.indirect_vreg.gather [hbm4b:s7+s3], $0x80, v10, vm0, $0x2000b8;
	[tilespmem:$0x1E380] =	vst v63  }
0x215: {  	_ = 	snop  }
0x216: {  	[tilespmem:s29], [sflag:$0x1] =	stream.indirect_vreg.gather [hbm4b:s8+s3], $0x80, v10, vm0, $0x2000b8;
	[tilespmem:$0x1E380] =	vst v63  }
0x217: {  	v10 =	vld [tilespmem:$0x61F0];
	_ =	sdelay $0x4  }
0x218: {  	v11 =	vshrl.u32 v10, $0x3  }
0x219: {  	v11 =	vmul.u32 $0x30, v11  }
0x21a: {  	v10 =	vand.u32 $0x7, v10  }
0x21b: {  	v10 =	vor.u32 v10, v11  }
0x21c: {  	v11 =	vperm.xlane v10, v7;
	_ =	sdelay $0x1  }
0x21d: {  	v11 =	vadd.s32 v8, v11;
	_ =	sdelay $0x3  }
0x21e: {  	v10 =	vperm.xlane v10, v9  }
0x21f: {  	[tilespmem:s30], [sflag:$0x1] =	stream.indirect_vreg.gather [hbm4b:s2+s3], $0x80, v11, vm0, $0x2000b8;
	[tilespmem:$0x1E380] =	vst v63  }
0x220: {  	v10 =	vadd.s32 v8, v10  }
0x221: {  	[tilespmem:s31], [sflag:$0x1] =	stream.indirect_vreg.gather [hbm4b:s7+s3], $0x80, v11, vm0, $0x2000b8;
	[tilespmem:$0x1E380] =	vst v63  }
0x222: {  	_ = 	snop  }
0x223: {  	[tilespmem:s1], [sflag:$0x1] =	stream.indirect_vreg.gather [hbm4b:s8+s3], $0x80, v11, vm0, $0x2000b8;
	[tilespmem:$0x1E380] =	vst v63  }
0x224: {  	_ = 	snop  }
0x225: {  	[tilespmem:s0], [sflag:$0x1] =	stream.indirect_vreg.gather [hbm4b:s2+s3], $0x80, v10, vm0, $0x2000b8;
	[tilespmem:$0x1E380] =	vst v63  }
0x226: {  	_ = 	snop  }
0x227: {  	[tilespmem:s18], [sflag:$0x1] =	stream.indirect_vreg.gather [hbm4b:s7+s3], $0x80, v10, vm0, $0x2000b8;
	[tilespmem:$0x1E380] =	vst v63  }
0x228: {  	_ = 	snop  }
0x229: {  	[tilespmem:s19], [sflag:$0x1] =	stream.indirect_vreg.gather [hbm4b:s8+s3], $0x80, v10, vm0, $0x2000b8;
	[tilespmem:$0x1E380] =	vst v63  }
0x22a: {  	_ =	swait.ge [sflag:s14], $0x18000  }
0x22b: {  	s20 =	sadd.s32 $0x1, s20;
	[sflag:s14] =	ssyncset.done $0x0  }
0x22c: {  	p0 =	sne.s32 s20, s10;
	[sflag:s14] =	ssyncadd.s32 $0xFFFE8000  }
0x22d: {  	[hbm4b:s9+s3] =	stream.linear.scatter [tilespmem:s17], [sflag:$0x2], $0x18000, $0x200038;
	[tilespmem:$0x1E380] =	vst v63  }
.Ltmp8:
0x22e: {  	_ = 	snop;
	(pc) =	sbr.rel @p0 .LBB2_1-.Ltmp8, $4  }
.Ltmp9:
0x22f: {  	_ =	swait.ge [sflag:s12], $0x18000;
	(pc) =	sbr.rel @!p0 .LBB2_24-.Ltmp9, $4  }
0x230: {  	[sflag:s12] =	ssyncset.done $0x0  }
0x231: {  	[sflag:s12] =	ssyncadd.s32 $0xFFFE8000  }
0x232: {  	_ =	strace $0x90000051  }
0x233: {  	_ = 	snop  }
.LBB2_10:
0x234: {  	s21 =	sadd.s32 $0xF, s23  }
0x235: {  	s22 =	sand.u32 $0xF, s21;
	s23 =	sshra.s32 s21, $0x1F  }
.Ltmp10:
0x236: {  	p0 =	slt.s32 s21, $0x1;
	p1 =	sne.s32 s22, $0x0;
	(pc) =	sbr.rel .LBB2_11-.Ltmp10, $4  }
0x237: {  	s26 =	sshrl.u32 s23, $0x1C;
	p0 =	por !p0, !p1  }
0x238: {  	s22 =	simm.s32 $0x1;
	s21 =	sadd.s32 s26, s21;
	p0 =	por !p0, !p0  }
0x239: {  	s21 =	sshra.s32 s21, $0x4;
	s22 =	simm.s32 @!p0 $0x0  }
0x23a: {  	s21 =	ssub.s32 s21, s22;
	s22 =	simm.s32 $0x0  }
.LBB2_14:
0x23b: {  	v15 =	vmpcnt.ones.xlane vm1;
	_ =	sdelay $0x1  }
0x23c: {  	v14 =	vadd.s32 v14, v15  }
.LBB2_15:
0x23d: {  	s22 =	sadd.s32 $0x1, s22  }
0x23e: {  	p0 =	sne.s32 s22, $0x18  }
.Ltmp11:
0x23f: {  	_ = 	snop;
	(pc) =	sbr.rel @!p0 .LBB2_19-.Ltmp11, $4  }
0x240: {  	_ = 	snop  }
0x241: {  	vm1 =	vlt.u32 v12, v10;
	vm2 =	vlt.s32 v14, v11;
	vm3 =	vge.s32 v14, v11  }
0x242: {  	v14 =	vadd.s32 $0x1, v13;
	vm3 =	vmand vm1, vm3;
	vm1 =	vmand vm1, vm2  }
0x243: {  	v12 =	vsel vm3, v14, v12;
	v10 =	vsel vm1, v13, v10  }
.LBB2_11:
0x244: {  	p0 =	slt.s32 s21, $0x1  }
.Ltmp12:
0x245: {  	_ = 	snop;
	(pc) =	sbr.rel @p0 .LBB2_15-.Ltmp12, $4  }
0x246: {  	_ = 	snop  }
0x247: {  	v13 =	vsub.s32 v10, v12  }
0x248: {  	v13 =	vshrl.u32 v13, $0x1  }
0x249: {  	v14 =	vimm.s32 $0x0;
	s24 =	simm.s32 $0x4000;
	v13 =	vadd.s32 v12, v13  }
0x24a: {  	v15 =	vld [tilespmem:s24+$0x0];
	p0 =	sne.s32 s21, $0x1  }
.Ltmp13:
0x24b: {  	_ = 	snop;
	(pc) =	sbr.rel @!p0 .LBB2_14-.Ltmp13, $2  }
0x24c: {  	_ =	sdelay $0x2  }
0x24d: {  	s23 =	sadd.s32 $0xFFFFFFFF, s21;
	s24 =	sadd.s32 $0x10, s24;
	vm1 =	vgt.u32 v15, v13  }
.LBB2_13:
0x24e: {  	v15 =	vld [tilespmem:s24+$0x0];
	p0 =	sne.s32 s23, $0x1;
	s23 =	sadd.s32 $0xFFFFFFFF, s23;
	v16 =	vmpcnt.ones.xlane vm1  }
.Ltmp14:
0x24f: {  	(pc) =	sbr.rel @p0 .LBB2_13-.Ltmp14, $2  }
0x250: {  	v14 =	vadd.s32 v14, v16;
	_ =	sdelay $0x2  }
0x251: {  	s24 =	sadd.s32 $0x10, s24;
	vm1 =	vgt.u32 v15, v13  }
.Ltmp15:
0x252: {  	_ = 	snop;
	(pc) =	sbr.rel .LBB2_14-.Ltmp15, $1  }
0x253: {  	_ =	sdelay $0x3  }
.LBB2_24:
0x254: {  	_ =	sfence.sel $0x180000  }
0x255: {  	[bflag:$0x0] =	sbarrier.arrive $0xFFFF  }
0x256: {  	_ =	strace $0x90000047  }
0x257: {  	s0 =	stileid.u32;
	[bflag:$0x2] =	sbarrier.arrive $0xFFFF  }
0x258: {  	p0 =	sne.s32 s0, $0x0;
	s0 =	rddreg [dreg:$0x2]  }
0x259: {  	s0 =	sadd.s32 @!p0 $0x100000, s0  }
0x25a: {  	[sflag:s0] =	ssyncadd.tile.s32 @!p0 $0x1;
	_ =	shalt  }
.Lfunc_end2:
_tile_overlayer_lowered:
.L_overlay_start_2:
0x25b: {  	(tag) =	ssettag $0x2  }
0x25c: {  	s0 =	rddreg [dreg:$0x0];
	s2 =	stileid.u32  }
0x25d: {  	s1 =	rddreg [dreg:$0x1];
	p0 =	sne.s32 s2, $0x0  }
0x25e: {  	s3 =	rddreg [dreg:$0x2];
	[bflag:$0x3] =	sbarrier.arrive $0xFFFF;
	s2 =	simm.s32 @!p0 $0x1C02  }
0x25f: {  	[timem:s3], [sflag:s2] =	dma.local @!p0 [hbm:s0], s1  }
0x260: {  	s0 =	simm.s32 @!p0 $0x2  }
0x261: {  	_ =	swait.ge @!p0 [sflag:s0], s1  }
0x262: {  	s1 =	ssub.s32 @!p0 $0x0, s1;
	[sflag:s0] =	ssyncset.done @!p0 $0x0  }
0x263: {  	[sflag:s0] =	ssyncadd.s32 @!p0 s1  }
0x264: {  	[bflag:$0x3] =	sbarrier.arrive $0xFFFF  }
0x265: {  	_ =	shalt  }

// kernel: kernel.9.cloned.1.call-start
scs
__scs_entry_jumppad:
0x0: {  	(pc) =	sbr.rel $0x88, $3  }
0x1: {  	(tag) =	ssettag $0x0;
	lr =	simm.s32 $0x1  }
0x2: {  	[smem:$0x3F9D] =	sst lr;
	_ =	strace $0xD0000000  }
0x3: {  	_ = 	snop  }
0x4: {  	_ = 	snop  }
0x5: {  	_ = 	snop  }
0x6: {  	_ = 	snop  }
0x7: {  	_ = 	snop  }
__scs_overlays_trampoline_lowered:
0x8: {  	[smem:$0x3FAC] =	sst s0  }
0x9: {  	[smem:$0x3FAD] =	sst s1  }
0xa: {  	[smem:$0x3FAE] =	sst s2  }
0xb: {  	[smem:$0x3FAF] =	sst s3  }
0xc: {  	[smem:$0x3FB0] =	sst s4  }
0xd: {  	[smem:$0x3FB1] =	sst s5  }
0xe: {  	[smem:$0x3FB2] =	sst s6  }
0xf: {  	[smem:$0x3FB3] =	sst s7  }
0x10: {  	[smem:$0x3FB4] =	sst s8  }
0x11: {  	[smem:$0x3FB5] =	sst s9;
	s0 =	simm.s32 @!p0 $0x0  }
0x12: {  	s1 =	sld [smem:$0x3F9B];
	s0 =	simm.s32 @p0 $0x1  }
0x13: {  	[smem:$0x3FB6] =	sst s0;
	s0 =	simm.s32 @!p1 $0x0  }
0x14: {  	s2 =	sld [smem:$0x3F9A];
	s0 =	simm.s32 @p1 $0x1  }
0x15: {  	[smem:$0x3FB7] =	sst s0;
	s0 =	simm.s32 @!p2 $0x0  }
0x16: {  	s3 =	sld [smem:$0x3FDB];
	s0 =	simm.s32 @p2 $0x1  }
0x17: {  	s4 =	simm.s32 $0x1BF5;
	[smem:$0x3FB9] =	sst s0  }
0x18: {  	s0 =	sld [smem:$0x3F9C];
	_ =	swait.ge [sflag:s4], $0x0  }
0x19: {  	s7 =	sld [smem:$0x3F9D]  }
0x1a: {  	s8 =	sadd.s32 $0xFFFFE003, lr  }
0x1b: {  	s9 =	sadd.s32 $0xFFFFFEF7, lr;
	s5 =	simm.s32 $0xFFFFFFFF;
	p2 =	slt.u32 s8, $0xFFFFF086  }
0x1c: {  	p1 =	slt.u32 s9, $0xF7A;
	s5 =	simm.s32 @!p2 $0x0  }
0x1d: {  	s5 =	simm.s32 @p1 $0x1;
	p0 =	seq.s32 s7, s2  }
0x1e: {  	s7 =	smul.u32 @!p0 $0xF7A, s2;
	p2 =	seq.s32 @!p0 s5, $0x0  }
0x1f: {  	s9 =	smul.u32 $0xF7A, s1;
	s8 =	simm.s32 @!p0 $0x1BF5;
	p2 =	por !p2, p0  }
0x20: {  	[sflag:s8] =	ssyncset.s32 @!p0 $0xFFFFF086;
	s6 =	sadd.s32 @!p0 s3, s7;
	s7 =	simm.s32 @!p0 $0x108  }
0x21: {  	s3 =	sadd.s32 s3, s9;
	s6 =	sadd.s32 @!p0 $0x88, s6;
	s7 =	simm.s32 @p2 $0x1082  }
0x22: {  	[simem:s7], [sflag:s8] =	dma.local @!p0 [hbm:s6], $0xF7A  }
0x23: {  	s9 =	sor.u32 $0xD0000000, s2;
	s6 =	simm.s32 $0x108;
	_ =	swait.ge @!p0 [sflag:s8], $0x0  }
0x24: {  	s3 =	sadd.s32 $0x88, s3;
	s6 =	simm.s32 @!p1 $0x1082;
	[sflag:s4] =	ssyncset.s32 $0xFFFFF086  }
0x25: {  	[simem:s6], [sflag:s4] =	dma.local [hbm:s3], $0xF7A  }
0x26: {  	[smem:$0x3F9D] =	sst s1;
	(tag) =	ssettag s2;
	_ =	strace s9  }
0x27: {  	s1 =	sld [smem:$0x3FAD]  }
0x28: {  	s2 =	sld [smem:$0x3FAE]  }
0x29: {  	s4 =	sld [smem:$0x3FB0]  }
0x2a: {  	p0 =	seq.s32 s5, $0x0;
	s5 =	sld [smem:$0x3FB1]  }
0x2b: {  	s6 =	sld [smem:$0x3FB2]  }
0x2c: {  	s7 =	sld [smem:$0x3FB3]  }
0x2d: {  	s3 =	simm.s32 $0x108;
	s8 =	sld [smem:$0x3FB4]  }
0x2e: {  	s3 =	simm.s32 @!p0 $0x1082;
	s9 =	sld [smem:$0x3FB5]  }
0x2f: {  	lr =	sadd.s32 s0, s3;
	s0 =	sld [smem:$0x3FAC]  }
0x30: {  	s3 =	sld [smem:$0x3FAF]  }
0x31: {  	[smem:$0x3FB8] =	sst s10  }
0x32: {  	s10 =	sld [smem:$0x3FB6];
	_ =	sdelay $0x3  }
0x33: {  	p0 =	seq.s32 s10, $0x1;
	s10 =	sld [smem:$0x3FB8];
	_ =	sdelay $0x3  }
0x34: {  	[smem:$0x3FB8] =	sst s10  }
0x35: {  	s10 =	sld [smem:$0x3FB7];
	_ =	sdelay $0x3  }
0x36: {  	p1 =	seq.s32 s10, $0x1;
	s10 =	sld [smem:$0x3FB8];
	_ =	sdelay $0x3  }
0x37: {  	[smem:$0x3FB8] =	sst s10  }
0x38: {  	s10 =	sld [smem:$0x3FB9]  }
0x39: {  	_ = 	snop;
	(pc) =	sbr.ind lr, $3  }
0x3a: {  	_ = 	snop  }
0x3b: {  	_ = 	snop  }
0x3c: {  	p2 =	seq.s32 s10, $0x1;
	s10 =	sld [smem:$0x3FB8]  }
0x3d: {  	_ =	shalt  }
0x3e: {  	_ =	shalt  }
0x3f: {  	_ =	shalt  }
0x40: {  	_ =	shalt  }
0x41: {  	_ =	shalt  }
0x42: {  	_ =	shalt  }
0x43: {  	_ =	shalt  }
0x44: {  	_ =	shalt  }
0x45: {  	_ =	shalt  }
0x46: {  	_ =	shalt  }
0x47: {  	_ =	shalt  }
0x48: {  	_ =	shalt  }
0x49: {  	_ =	shalt  }
0x4a: {  	_ =	shalt  }
0x4b: {  	_ =	shalt  }
0x4c: {  	_ =	shalt  }
0x4d: {  	_ =	shalt  }
0x4e: {  	_ =	shalt  }
0x4f: {  	_ =	shalt  }
0x50: {  	_ =	shalt  }
0x51: {  	_ =	shalt  }
0x52: {  	_ =	shalt  }
0x53: {  	_ =	shalt  }
0x54: {  	_ =	shalt  }
0x55: {  	_ =	shalt  }
0x56: {  	_ =	shalt  }
0x57: {  	_ =	shalt  }
0x58: {  	_ =	shalt  }
0x59: {  	_ =	shalt  }
0x5a: {  	_ =	shalt  }
0x5b: {  	_ =	shalt  }
0x5c: {  	_ =	shalt  }
0x5d: {  	_ =	shalt  }
0x5e: {  	_ =	shalt  }
0x5f: {  	_ =	shalt  }
0x60: {  	_ =	shalt  }
0x61: {  	_ =	shalt  }
0x62: {  	_ =	shalt  }
0x63: {  	_ =	shalt  }
0x64: {  	_ =	shalt  }
0x65: {  	_ =	shalt  }
0x66: {  	_ =	shalt  }
0x67: {  	_ =	shalt  }
0x68: {  	_ =	shalt  }
0x69: {  	_ =	shalt  }
0x6a: {  	_ =	shalt  }
0x6b: {  	_ =	shalt  }
0x6c: {  	_ =	shalt  }
0x6d: {  	_ =	shalt  }
0x6e: {  	_ =	shalt  }
0x6f: {  	_ =	shalt  }
0x70: {  	_ =	shalt  }
0x71: {  	_ =	shalt  }
0x72: {  	_ =	shalt  }
0x73: {  	_ =	shalt  }
0x74: {  	_ =	shalt  }
0x75: {  	_ =	shalt  }
0x76: {  	_ =	shalt  }
0x77: {  	_ =	shalt  }
0x78: {  	_ =	shalt  }
0x79: {  	_ =	shalt  }
0x7a: {  	_ =	shalt  }
0x7b: {  	_ =	shalt  }
0x7c: {  	_ =	shalt  }
0x7d: {  	_ =	shalt  }
0x7e: {  	_ =	shalt  }
0x7f: {  	_ =	shalt  }
0x80: {  	_ =	shalt  }
0x81: {  	_ =	shalt  }
0x82: {  	_ =	shalt  }
0x83: {  	_ =	shalt  }
0x84: {  	_ =	shalt  }
0x85: {  	_ =	shalt  }
0x86: {  	_ =	shalt  }
0x87: {  	_ =	shalt  }
.Lfunc_end0:
.L_simem_size_0:
called_computation.1_lowered:
.L_overlay_start_0:
0x88: {  	s2 =	sld [smem:$0x3FD9]  }
0x89: {  	s3 =	sld [smem:$0x3FFE];
	_ =	sdelay $0x1  }
0x8a: {  	s1 =	srdreg.scid  }
0x8b: {  	s0 =	sand.u32 $0x1, s1  }
0x8c: {  	s17 =	sshll.u32 s0, $0xA;
	s2 =	sadd.s32 s3, s2  }
0x8d: {  	s2 =	sadd.s32 s2, s17  }
0x8e: {  	[smem:$0x3FC4] =	sst s2  }
0x8f: {  	_ = 	snop  }
0x90: {  	s2 =	sld [smem:$0x3FD0];
	(tm) =	ssettm $0x1  }
0x91: {  	s18 =	sld [smem:$0x3FFB];
	_ =	sdelay $0x3  }
0x92: {  	_ =	strace s18  }
0x93: {  	s3 =	sld [smem:$0x3FFC];
	_ =	sdelay $0x3  }
0x94: {  	_ =	strace s3  }
0x95: {  	s3 =	sld [smem:$0x3FFD];
	_ =	sdelay $0x3  }
0x96: {  	_ =	strace s3  }
0x97: {  	_ =	strace $0x8FFFFFFF  }
0x98: {  	s19 =	sld [smem:$0x3FDB];
	_ =	sdelay $0x1  }
0x99: {  	s4 =	simm.s32 $_scs_section_size  }
0x9a: {  	s5 =	simm.s32 $_size__tile_overlayer_lowered;
	s6 =	simm.s32 $_tile_overlayer_lowered  }
0x9b: {  	s22 =	simm.s32 $0x1BFF;
	s21 =	sshll.u32 s6, $0x1;
	s3 =	sadd.s32 s4, s19  }
0x9c: {  	s7 =	simm.s32 $0x0;
	s20 =	sshll.u32 s5, $0x1;
	s5 =	sadd.s32 s21, s3  }
0x9d: {  	[timem:s7], [sflag:s22] =	dma.local [hbm:s5], s20  }
0x9e: {  	_ =	swait.ge [sflag:s22], s20  }
0x9f: {  	s4 =	ssub.s32 $0x0, s20;
	[sflag:s22] =	ssyncset.done $0x0  }
0xa0: {  	[sflag:s22] =	ssyncadd.s32 s4;
	_ =	sdelay $0x1  }
0xa1: {  	s23 =	simm.s32 $0x1B8B  }
0xa2: {  	_ =	swait.ge [sflag:s23], $0x1  }
0xa3: {  	[sflag:s23] =	ssyncset.done $0x0  }
0xa4: {  	s25 =	simm.s32 $0x1B8E;
	s24 =	sld [smem:$0x3FFE];
	[sflag:s23] =	ssyncadd.s32 $0xFFFFFFFF  }
0xa5: {  	s26 =	simm.s32 $execute0_lowered;
	[smem:$0x3FD2] =	sst s25  }
0xa6: {  	s5 =	sshll.u32 s26, $0x1;
	_ =	strace $0x80000053;
	[dreg:$0x1] =	wrdreg $0xFFFFFFFF  }
0xa7: {  	s28 =	simm.s32 $_size_execute0_lowered;
	s3 =	sadd.s32 s3, s5;
	[dreg:$0x0] =	wrdreg $0x0  }
0xa8: {  	s5 =	sshll.u32 s28, $0x1;
	[dreg:$0x2] =	wrdreg s3  }
0xa9: {  	[dreg:$0x3] =	wrdreg s5  }
0xaa: {  	[dreg:$0x4] =	wrdreg $0xC0  }
0xab: {  	_ =	task [dreg:s7], $0x5FFFF  }
0xac: {  	[dreg:$0x1] =	wrdreg $0xFFFFFFFF  }
0xad: {  	[dreg:$0x0] =	wrdreg $0x60  }
0xae: {  	[dreg:$0x2] =	wrdreg s24  }
0xaf: {  	[dreg:$0x3] =	wrdreg s2  }
0xb0: {  	[dreg:$0x4] =	wrdreg $0x9  }
0xb1: {  	_ =	task.clear_ibuf [dreg:s7], $0x5FFFF;
	_ =	strace $0x90000053  }
0xb2: {  	s29 =	simm.s32 $0x9;
	_ =	strace $0x80000055  }
0xb3: {  	_ =	swait.ge [sflag:s29], $0x1  }
0xb4: {  	[sflag:s29] =	ssyncadd.s32 $0xFFFFFFFF  }
0xb5: {  	_ =	strace $0x90000055  }
0xb6: {  	_ =	sfence  }
0xb7: {  	s30 =	sld [smem:$0x0];
	_ =	sdelay $0x2  }
0xb8: {  	s31 =	sshll.u32 s1, $0xD;
	s1 =	sshrl.u32 s1, $0x2  }
0xb9: {  	s3 =	sand.u32 $0x4000, s31;
	s1 =	sadd.s32 s1, s30  }
0xba: {  	s0 =	sor.u32 s3, s0;
	s1 =	sshll.u32 s1, $0x11  }
0xbb: {  	s0 =	sor.u32 s1, s0  }
0xbc: {  	s0 =	sadd.s32 $0x8F2B, s0  }
0xbd: {  	[sflag:s0] =	ssyncadd.remote.s32 $0x1  }
0xbe: {  	_ =	sfence.sel $0xFFFF  }
0xbf: {  	[dreg:$0x0] =	wrdreg $0xFFFFFFFF;
	(pc) =	sbr.abs _section_cstart, $3  }
0xc0: {  	[dreg:$0x1] =	wrdreg $0xFFFFFFFF  }
0xc1: {  	_ =	task.clear_ibuf [dreg:s7], $0x2FFFF;
	_ =	strace $0x9FFFFFFF  }
0xc2: {  	(tm) =	ssettm $0x7FFFFFFF  }
0xc3: {  	_ =	shalt  }
tec
execute0_lowered:
.L_overlay_start_1:
0x0: {  	(tag) =	ssettag $0x1  }
0x1: {  	s0 =	srdreg.scid  }
0x2: {  	s1 =	sand.u32 $0x1, s0  }
0x3: {  	s23 =	stileid.u32;
	s2 =	sshll.u32 s1, $0x4  }
0x4: {  	s3 =	sand.u32 $0x7, s23;
	s4 =	sor.u32 s23, s2  }
0x5: {  	p1 =	sne.s32 s3, $0x0;
	p0 =	seq.s32 s4, $0x0  }
0x6: {  	p0 =	por !p1, !p0  }
0x7: {  	s2 =	simm.s32 $0x1;
	p0 =	por !p0, !p0  }
0x8: {  	s5 =	sshrl.u32 s4, $0x3;
	s2 =	simm.s32 @!p0 $0x0  }
0x9: {  	s4 =	smul.u32 $0x3000, s4;
	s2 =	ssub.s32 s5, s2  }
0xa: {  	s24 =	rddreg [dreg:$0x0];
	s6 =	smul.u32 $0x480, s2  }
0xb: {  	s3 =	sshll.u32 s3, $0x7;
	s4 =	sadd.s32 s4, s24  }
0xc: {  	s2 =	rddreg [dreg:$0x1];
	s6 =	sadd.s32 s3, s6;
	s3 =	simm.s32 $0x0  }
0xd: {  	s4 =	sadd.s32 $0x1000, s4;
	[smem:$0x7FF] =	sst s3  }
0xe: {  	s26 =	simm.s32 $0x880;
	_ =	strace $0x80000054;
	[dreg:$0x4] =	wrdreg s4  }
0xf: {  	s0 =	simm.s32 $0x1080;
	[dreg:$0x5] =	wrdreg s26  }
0x10: {  	s5 =	simm.s32 $0x1880;
	[dreg:$0x6] =	wrdreg s0  }
0x11: {  	s7 =	simm.s32 $0x2880;
	[dreg:$0x7] =	wrdreg s5  }
0x12: {  	s8 =	simm.s32 $0x3080;
	[dreg:$0x9] =	wrdreg s7  }
0x13: {  	s9 =	simm.s32 $0x3880;
	[dreg:$0xa] =	wrdreg s8  }
0x14: {  	s10 =	simm.s32 $0x4080;
	[dreg:$0xb] =	wrdreg s9  }
0x15: {  	s11 =	simm.s32 $0x4880;
	[dreg:$0xc] =	wrdreg s10  }
0x16: {  	s12 =	simm.s32 $0x5080;
	s13 =	simm.s32 $0x5880;
	[dreg:$0xd] =	wrdreg s11  }
0x17: {  	s14 =	simm.s32 $0x6080;
	s15 =	simm.s32 $0x6880;
	[dreg:$0xe] =	wrdreg s12  }
0x18: {  	s16 =	simm.s32 $0x7080;
	s17 =	simm.s32 $0x7880;
	[dreg:$0xf] =	wrdreg s13  }
0x19: {  	s18 =	simm.s32 $0x8080;
	s19 =	simm.s32 $0x8880;
	[dreg:$0x10] =	wrdreg s14  }
0x1a: {  	s20 =	simm.s32 $0x9080;
	s21 =	simm.s32 $0x9880;
	[dreg:$0x11] =	wrdreg s15  }
0x1b: {  	s28 =	simm.s32 $0x15880;
	s29 =	simm.s32 $0x16080;
	[dreg:$0x12] =	wrdreg s16  }
0x1c: {  	s30 =	simm.s32 $0x16880;
	s1 =	ssub.s32 $0x2, s1;
	[dreg:$0x13] =	wrdreg s17  }
0x1d: {  	s31 =	simm.s32 $0x17080;
	s22 =	sshrl.u32 s1, $0x1;
	[dreg:$0x14] =	wrdreg s18  }
0x1e: {  	s23 =	simm.s32 $0xA080;
	s1 =	ssub.s32 s1, s22;
	[dreg:$0x15] =	wrdreg s19  }
0x1f: {  	s22 =	simm.s32 $0x13080;
	s6 =	sshrl.u32 s6, $0x3;
	[dreg:$0x16] =	wrdreg s20  }
0x20: {  	s6 =	sadd.s32 s6, s24;
	s4 =	simm.s32 $0x1;
	[dreg:$0x17] =	wrdreg s21  }
0x21: {  	[dreg:$0x18] =	wrdreg s23;
	s24 =	simm.s32 $0xA880;
	s5 =	sadd.s32 $0x100, s2  }
0x22: {  	s7 =	simm.s32 $0xB080;
	s8 =	simm.s32 $0xB880;
	s26 =	simm.s32 $0xC880  }
0x23: {  	s9 =	simm.s32 $0x80;
	s11 =	simm.s32 $0xD880;
	s12 =	simm.s32 $0xE080  }
0x24: {  	s13 =	simm.s32 $0xE880;
	s14 =	simm.s32 $0xF080;
	s15 =	simm.s32 $0xF880  }
0x25: {  	s16 =	simm.s32 $0x10080;
	s17 =	simm.s32 $0x10880;
	s18 =	simm.s32 $0x11080  }
0x26: {  	s19 =	simm.s32 $0x11880;
	s20 =	simm.s32 $0x12080;
	[dreg:$0x19] =	wrdreg s24  }
0x27: {  	s21 =	simm.s32 $0x12880;
	s23 =	simm.s32 $0x13880;
	[dreg:$0x1a] =	wrdreg s7  }
0x28: {  	s25 =	sadd.s32 $0x62400, s6;
	s6 =	simm.s32 $0x2080;
	[dreg:$0x1b] =	wrdreg s8  }
0x29: {  	s7 =	smax.u32 s1, $0x1;
	s8 =	simm.s32 $0x2;
	[dreg:$0x1d] =	wrdreg s26  }
0x2a: {  	v2 =	vlaneseq.u32;
	s24 =	simm.s32 $0x14080;
	s26 =	simm.s32 $0x15080;
	[dreg:$0x3] =	wrdreg s25  }
0x2b: {  	vm0 =	vmmov $0xffff;
	v1 =	vshrl.u32 v2, $0x3;
	s1 =	simm.s32 $0x17880;
	[dreg:$0x8] =	wrdreg s6;
	s25 =	simm.s32 $0xC080  }
0x2c: {  	v0 =	vand.u32 $0x7, v2;
	v2 =	vor.u32 $0x8, v2;
	v1 =	vmul.u32 $0x8, v1;
	s6 =	sadd.s32 $0x200, s2;
	[dreg:$0x1c] =	wrdreg s25;
	s25 =	simm.s32 $0x14880  }
.LBB2_1:
0x2d: {  	s0 =	rddreg [dreg:$0x3]  }
0x2e: {  	[tilespmem:s3], [sflag:$0x2] =	stream.linear.gather [hbm4b:s0+s3], $0x80, $0x38;
	[tilespmem:$0x18080] =	vst v63  }
0x2f: {  	_ =	swait.ge [sflag:s8], $0x80  }
0x30: {  	[sflag:s8] =	ssyncset.done $0x0  }
0x31: {  	s10 =	rddreg [dreg:$0x4];
	[sflag:s8] =	ssyncadd.s32 $0xFFFFFF80  }
0x32: {  	[tilespmem:s9], [sflag:$0x2] =	stream.linear.gather [hbm4b:s10+s3], $0x18000, $0x38;
	[tilespmem:$0x18080] =	vst v63  }
0x33: {  	_ =	swait.ge [sflag:s8], $0x18000  }
0x34: {  	[sflag:s8] =	ssyncset.done $0x0  }
0x35: {  	[sflag:s8] =	ssyncadd.s32 $0xFFFE8000  }
0x36: {  	v3 =	vld [tilespmem:$0x0];
	_ =	sdelay $0x4  }
0x37: {  	v4 =	vshrl.u32 v3, $0x3  }
0x38: {  	v4 =	vmul.u32 $0x30, v4  }
0x39: {  	v3 =	vand.u32 $0x7, v3  }
0x3a: {  	v3 =	vor.u32 v3, v4  }
0x3b: {  	v4 =	vperm.xlane v3, v0;
	_ =	sdelay $0x1  }
0x3c: {  	v4 =	vadd.s32 v1, v4;
	_ =	sdelay $0x3  }
0x3d: {  	v3 =	vperm.xlane v3, v2  }
0x3e: {  	[hbm4b:s2+s3] =	stream.indirect_vreg.scatter [tilespmem:s9], [sflag:$0x1], $0x80, v4, vm0, $0xb8;
	[tilespmem:$0x18080] =	vst v63  }
0x3f: {  	s0 =	rddreg [dreg:$0x5];
	v3 =	vadd.s32 v1, v3  }
0x40: {  	[hbm4b:s5+s3] =	stream.indirect_vreg.scatter [tilespmem:s0], [sflag:$0x1], $0x80, v4, vm0, $0xb8;
	[tilespmem:$0x18080] =	vst v63  }
0x41: {  	s10 =	rddreg [dreg:$0x6]  }
0x42: {  	[hbm4b:s6+s3] =	stream.indirect_vreg.scatter [tilespmem:s10], [sflag:$0x1], $0x80, v4, vm0, $0xb8;
	[tilespmem:$0x18080] =	vst v63  }
0x43: {  	s0 =	rddreg [dreg:$0x7]  }
0x44: {  	[hbm4b:s2+s3] =	stream.indirect_vreg.scatter [tilespmem:s0], [sflag:$0x1], $0x80, v3, vm0, $0xb8;
	[tilespmem:$0x18080] =	vst v63  }
0x45: {  	s10 =	rddreg [dreg:$0x8]  }
0x46: {  	[hbm4b:s5+s3] =	stream.indirect_vreg.scatter [tilespmem:s10], [sflag:$0x1], $0x80, v3, vm0, $0xb8;
	[tilespmem:$0x18080] =	vst v63  }
0x47: {  	s0 =	rddreg [dreg:$0x9]  }
0x48: {  	[hbm4b:s6+s3] =	stream.indirect_vreg.scatter [tilespmem:s0], [sflag:$0x1], $0x80, v3, vm0, $0xb8;
	[tilespmem:$0x18080] =	vst v63  }
0x49: {  	v3 =	vld [tilespmem:$0x10];
	_ =	sdelay $0x4  }
0x4a: {  	v57 =	vshrl.u32 v3, $0x3  }
0x4b: {  	v4 =	vmul.u32 $0x30, v57  }
0x4c: {  	v3 =	vand.u32 $0x7, v3  }
0x4d: {  	v3 =	vor.u32 v3, v4  }
0x4e: {  	v4 =	vperm.xlane v3, v0;
	_ =	sdelay $0x1  }
0x4f: {  	v4 =	vadd.s32 v1, v4;
	_ =	sdelay $0x3  }
0x50: {  	s0 =	rddreg [dreg:$0xa];
	v3 =	vperm.xlane v3, v2  }
0x51: {  	[hbm4b:s2+s3] =	stream.indirect_vreg.scatter [tilespmem:s0], [sflag:$0x1], $0x80, v4, vm0, $0xb8;
	[tilespmem:$0x18080] =	vst v63  }
0x52: {  	s10 =	rddreg [dreg:$0xb];
	v3 =	vadd.s32 v1, v3  }
0x53: {  	[hbm4b:s5+s3] =	stream.indirect_vreg.scatter [tilespmem:s10], [sflag:$0x1], $0x80, v4, vm0, $0xb8;
	[tilespmem:$0x18080] =	vst v63  }
0x54: {  	s0 =	rddreg [dreg:$0xc]  }
0x55: {  	[hbm4b:s6+s3] =	stream.indirect_vreg.scatter [tilespmem:s0], [sflag:$0x1], $0x80, v4, vm0, $0xb8;
	[tilespmem:$0x18080] =	vst v63  }
0x56: {  	s10 =	rddreg [dreg:$0xd]  }
0x57: {  	[hbm4b:s2+s3] =	stream.indirect_vreg.scatter [tilespmem:s10], [sflag:$0x1], $0x80, v3, vm0, $0xb8;
	[tilespmem:$0x18080] =	vst v63  }
0x58: {  	s0 =	rddreg [dreg:$0xe]  }
0x59: {  	[hbm4b:s5+s3] =	stream.indirect_vreg.scatter [tilespmem:s0], [sflag:$0x1], $0x80, v3, vm0, $0xb8;
	[tilespmem:$0x18080] =	vst v63  }
0x5a: {  	s10 =	rddreg [dreg:$0xf]  }
0x5b: {  	[hbm4b:s6+s3] =	stream.indirect_vreg.scatter [tilespmem:s10], [sflag:$0x1], $0x80, v3, vm0, $0xb8;
	[tilespmem:$0x18080] =	vst v63  }
0x5c: {  	v3 =	vld [tilespmem:$0x20];
	_ =	sdelay $0x4  }
0x5d: {  	v58 =	vshrl.u32 v3, $0x3  }
0x5e: {  	v4 =	vmul.u32 $0x30, v58  }
0x5f: {  	v3 =	vand.u32 $0x7, v3  }
0x60: {  	v3 =	vor.u32 v3, v4  }
0x61: {  	v4 =	vperm.xlane v3, v0;
	_ =	sdelay $0x1  }
0x62: {  	v4 =	vadd.s32 v1, v4;
	_ =	sdelay $0x3  }
0x63: {  	s0 =	rddreg [dreg:$0x10];
	v3 =	vperm.xlane v3, v2  }
0x64: {  	[hbm4b:s2+s3] =	stream.indirect_vreg.scatter [tilespmem:s0], [sflag:$0x1], $0x80, v4, vm0, $0xb8;
	[tilespmem:$0x18080] =	vst v63  }
0x65: {  	s10 =	rddreg [dreg:$0x11];
	v3 =	vadd.s32 v1, v3  }
0x66: {  	[hbm4b:s5+s3] =	stream.indirect_vreg.scatter [tilespmem:s10], [sflag:$0x1], $0x80, v4, vm0, $0xb8;
	[tilespmem:$0x18080] =	vst v63  }
0x67: {  	s0 =	rddreg [dreg:$0x12]  }
0x68: {  	[hbm4b:s6+s3] =	stream.indirect_vreg.scatter [tilespmem:s0], [sflag:$0x1], $0x80, v4, vm0, $0xb8;
	[tilespmem:$0x18080] =	vst v63  }
0x69: {  	s10 =	rddreg [dreg:$0x13]  }
0x6a: {  	[hbm4b:s2+s3] =	stream.indirect_vreg.scatter [tilespmem:s10], [sflag:$0x1], $0x80, v3, vm0, $0xb8;
	[tilespmem:$0x18080] =	vst v63  }
0x6b: {  	s0 =	rddreg [dreg:$0x14]  }
0x6c: {  	[hbm4b:s5+s3] =	stream.indirect_vreg.scatter [tilespmem:s0], [sflag:$0x1], $0x80, v3, vm0, $0xb8;
	[tilespmem:$0x18080] =	vst v63  }
0x6d: {  	s10 =	rddreg [dreg:$0x15]  }
0x6e: {  	[hbm4b:s6+s3] =	stream.indirect_vreg.scatter [tilespmem:s10], [sflag:$0x1], $0x80, v3, vm0, $0xb8;
	[tilespmem:$0x18080] =	vst v63  }
0x6f: {  	v3 =	vld [tilespmem:$0x30];
	_ =	sdelay $0x4  }
0x70: {  	v59 =	vshrl.u32 v3, $0x3  }
0x71: {  	v4 =	vmul.u32 $0x30, v59  }
0x72: {  	v3 =	vand.u32 $0x7, v3  }
0x73: {  	v3 =	vor.u32 v3, v4  }
0x74: {  	v4 =	vperm.xlane v3, v0;
	_ =	sdelay $0x1  }
0x75: {  	v4 =	vadd.s32 v1, v4;
	_ =	sdelay $0x3  }
0x76: {  	s0 =	rddreg [dreg:$0x16];
	v3 =	vperm.xlane v3, v2  }
0x77: {  	[hbm4b:s2+s3] =	stream.indirect_vreg.scatter [tilespmem:s0], [sflag:$0x1], $0x80, v4, vm0, $0xb8;
	[tilespmem:$0x18080] =	vst v63  }
0x78: {  	s10 =	rddreg [dreg:$0x17];
	v3 =	vadd.s32 v1, v3  }
0x79: {  	[hbm4b:s5+s3] =	stream.indirect_vreg.scatter [tilespmem:s10], [sflag:$0x1], $0x80, v4, vm0, $0xb8;
	[tilespmem:$0x18080] =	vst v63  }
0x7a: {  	s0 =	rddreg [dreg:$0x18]  }
0x7b: {  	[hbm4b:s6+s3] =	stream.indirect_vreg.scatter [tilespmem:s0], [sflag:$0x1], $0x80, v4, vm0, $0xb8;
	[tilespmem:$0x18080] =	vst v63  }
0x7c: {  	s10 =	rddreg [dreg:$0x19]  }
0x7d: {  	[hbm4b:s2+s3] =	stream.indirect_vreg.scatter [tilespmem:s10], [sflag:$0x1], $0x80, v3, vm0, $0xb8;
	[tilespmem:$0x18080] =	vst v63  }
0x7e: {  	s0 =	rddreg [dreg:$0x1a]  }
0x7f: {  	[hbm4b:s5+s3] =	stream.indirect_vreg.scatter [tilespmem:s0], [sflag:$0x1], $0x80, v3, vm0, $0xb8;
	[tilespmem:$0x18080] =	vst v63  }
0x80: {  	s10 =	rddreg [dreg:$0x1b]  }
0x81: {  	[hbm4b:s6+s3] =	stream.indirect_vreg.scatter [tilespmem:s10], [sflag:$0x1], $0x80, v3, vm0, $0xb8;
	[tilespmem:$0x18080] =	vst v63  }
0x82: {  	v3 =	vld [tilespmem:$0x40];
	_ =	sdelay $0x4  }
0x83: {  	v60 =	vshrl.u32 v3, $0x3  }
0x84: {  	v4 =	vmul.u32 $0x30, v60  }
0x85: {  	v3 =	vand.u32 $0x7, v3  }
0x86: {  	v3 =	vor.u32 v3, v4  }
0x87: {  	v4 =	vperm.xlane v3, v0;
	_ =	sdelay $0x1  }
0x88: {  	v4 =	vadd.s32 v1, v4;
	_ =	sdelay $0x3  }
0x89: {  	s0 =	rddreg [dreg:$0x1c];
	v3 =	vperm.xlane v3, v2  }
0x8a: {  	[hbm4b:s2+s3] =	stream.indirect_vreg.scatter [tilespmem:s0], [sflag:$0x1], $0x80, v4, vm0, $0xb8;
	[tilespmem:$0x18080] =	vst v63  }
0x8b: {  	s10 =	rddreg [dreg:$0x1d];
	v3 =	vadd.s32 v1, v3  }
0x8c: {  	[hbm4b:s5+s3] =	stream.indirect_vreg.scatter [tilespmem:s10], [sflag:$0x1], $0x80, v4, vm0, $0xb8;
	[tilespmem:$0x18080] =	vst v63  }
0x8d: {  	s10 =	simm.s32 $0xD080  }
0x8e: {  	[hbm4b:s6+s3] =	stream.indirect_vreg.scatter [tilespmem:s10], [sflag:$0x1], $0x80, v4, vm0, $0xb8;
	[tilespmem:$0x18080] =	vst v63  }
0x8f: {  	_ = 	snop  }
0x90: {  	[hbm4b:s2+s3] =	stream.indirect_vreg.scatter [tilespmem:s11], [sflag:$0x1], $0x80, v3, vm0, $0xb8;
	[tilespmem:$0x18080] =	vst v63  }
0x91: {  	_ = 	snop  }
0x92: {  	[hbm4b:s5+s3] =	stream.indirect_vreg.scatter [tilespmem:s12], [sflag:$0x1], $0x80, v3, vm0, $0xb8;
	[tilespmem:$0x18080] =	vst v63  }
0x93: {  	_ = 	snop  }
0x94: {  	[hbm4b:s6+s3] =	stream.indirect_vreg.scatter [tilespmem:s13], [sflag:$0x1], $0x80, v3, vm0, $0xb8;
	[tilespmem:$0x18080] =	vst v63  }
0x95: {  	v3 =	vld [tilespmem:$0x50];
	_ =	sdelay $0x4  }
0x96: {  	v61 =	vshrl.u32 v3, $0x3  }
0x97: {  	v4 =	vmul.u32 $0x30, v61  }
0x98: {  	v3 =	vand.u32 $0x7, v3  }
0x99: {  	v3 =	vor.u32 v3, v4  }
0x9a: {  	v4 =	vperm.xlane v3, v0;
	_ =	sdelay $0x1  }
0x9b: {  	v4 =	vadd.s32 v1, v4;
	_ =	sdelay $0x3  }
0x9c: {  	v3 =	vperm.xlane v3, v2  }
0x9d: {  	[hbm4b:s2+s3] =	stream.indirect_vreg.scatter [tilespmem:s14], [sflag:$0x1], $0x80, v4, vm0, $0xb8;
	[tilespmem:$0x18080] =	vst v63  }
0x9e: {  	v3 =	vadd.s32 v1, v3  }
0x9f: {  	[hbm4b:s5+s3] =	stream.indirect_vreg.scatter [tilespmem:s15], [sflag:$0x1], $0x80, v4, vm0, $0xb8;
	[tilespmem:$0x18080] =	vst v63  }
0xa0: {  	_ = 	snop  }
0xa1: {  	[hbm4b:s6+s3] =	stream.indirect_vreg.scatter [tilespmem:s16], [sflag:$0x1], $0x80, v4, vm0, $0xb8;
	[tilespmem:$0x18080] =	vst v63  }
0xa2: {  	_ = 	snop  }
0xa3: {  	[hbm4b:s2+s3] =	stream.indirect_vreg.scatter [tilespmem:s17], [sflag:$0x1], $0x80, v3, vm0, $0xb8;
	[tilespmem:$0x18080] =	vst v63  }
0xa4: {  	_ = 	snop  }
0xa5: {  	[hbm4b:s5+s3] =	stream.indirect_vreg.scatter [tilespmem:s18], [sflag:$0x1], $0x80, v3, vm0, $0xb8;
	[tilespmem:$0x18080] =	vst v63  }
0xa6: {  	_ = 	snop  }
0xa7: {  	[hbm4b:s6+s3] =	stream.indirect_vreg.scatter [tilespmem:s19], [sflag:$0x1], $0x80, v3, vm0, $0xb8;
	[tilespmem:$0x18080] =	vst v63  }
0xa8: {  	v3 =	vld [tilespmem:$0x60];
	_ =	sdelay $0x4  }
0xa9: {  	v62 =	vshrl.u32 v3, $0x3  }
0xaa: {  	v4 =	vmul.u32 $0x30, v62  }
0xab: {  	v3 =	vand.u32 $0x7, v3  }
0xac: {  	v3 =	vor.u32 v3, v4  }
0xad: {  	v4 =	vperm.xlane v3, v0;
	_ =	sdelay $0x1  }
0xae: {  	v4 =	vadd.s32 v1, v4;
	_ =	sdelay $0x3  }
0xaf: {  	v3 =	vperm.xlane v3, v2  }
0xb0: {  	[hbm4b:s2+s3] =	stream.indirect_vreg.scatter [tilespmem:s20], [sflag:$0x1], $0x80, v4, vm0, $0xb8;
	[tilespmem:$0x18080] =	vst v63  }
0xb1: {  	v3 =	vadd.s32 v1, v3  }
0xb2: {  	[hbm4b:s5+s3] =	stream.indirect_vreg.scatter [tilespmem:s21], [sflag:$0x1], $0x80, v4, vm0, $0xb8;
	[tilespmem:$0x18080] =	vst v63  }
0xb3: {  	_ = 	snop  }
0xb4: {  	[hbm4b:s6+s3] =	stream.indirect_vreg.scatter [tilespmem:s22], [sflag:$0x1], $0x80, v4, vm0, $0xb8;
	[tilespmem:$0x18080] =	vst v63  }
0xb5: {  	_ = 	snop  }
0xb6: {  	[hbm4b:s2+s3] =	stream.indirect_vreg.scatter [tilespmem:s23], [sflag:$0x1], $0x80, v3, vm0, $0xb8;
	[tilespmem:$0x18080] =	vst v63  }
0xb7: {  	_ = 	snop  }
0xb8: {  	[hbm4b:s5+s3] =	stream.indirect_vreg.scatter [tilespmem:s24], [sflag:$0x1], $0x80, v3, vm0, $0xb8;
	[tilespmem:$0x18080] =	vst v63  }
0xb9: {  	_ = 	snop  }
0xba: {  	[hbm4b:s6+s3] =	stream.indirect_vreg.scatter [tilespmem:s25], [sflag:$0x1], $0x80, v3, vm0, $0xb8;
	[tilespmem:$0x18080] =	vst v63  }
0xbb: {  	v3 =	vld [tilespmem:$0x70];
	_ =	sdelay $0x4  }
0xbc: {  	v63 =	vshrl.u32 v3, $0x3  }
0xbd: {  	v4 =	vmul.u32 $0x30, v63  }
0xbe: {  	v3 =	vand.u32 $0x7, v3  }
0xbf: {  	v3 =	vor.u32 v3, v4  }
0xc0: {  	v4 =	vperm.xlane v3, v0;
	_ =	sdelay $0x1  }
0xc1: {  	v4 =	vadd.s32 v1, v4;
	_ =	sdelay $0x3  }
0xc2: {  	v3 =	vperm.xlane v3, v2  }
0xc3: {  	[hbm4b:s2+s3] =	stream.indirect_vreg.scatter [tilespmem:s26], [sflag:$0x1], $0x80, v4, vm0, $0xb8;
	[tilespmem:$0x18080] =	vst v63  }
0xc4: {  	v3 =	vadd.s32 v1, v3  }
0xc5: {  	[hbm4b:s5+s3] =	stream.indirect_vreg.scatter [tilespmem:s28], [sflag:$0x1], $0x80, v4, vm0, $0xb8;
	[tilespmem:$0x18080] =	vst v63  }
0xc6: {  	_ = 	snop  }
0xc7: {  	[hbm4b:s6+s3] =	stream.indirect_vreg.scatter [tilespmem:s29], [sflag:$0x1], $0x80, v4, vm0, $0xb8;
	[tilespmem:$0x18080] =	vst v63  }
0xc8: {  	_ = 	snop  }
0xc9: {  	[hbm4b:s2+s3] =	stream.indirect_vreg.scatter [tilespmem:s30], [sflag:$0x1], $0x80, v3, vm0, $0xb8;
	[tilespmem:$0x18080] =	vst v63  }
0xca: {  	p0 =	sne.s32 s7, $0x1  }
0xcb: {  	[hbm4b:s5+s3] =	stream.indirect_vreg.scatter [tilespmem:s31], [sflag:$0x1], $0x80, v3, vm0, $0xb8;
	[tilespmem:$0x18080] =	vst v63  }
.Ltmp0:
0xcc: {  	_ = 	snop;
	(pc) =	sbr.rel @p0 .LBB2_1-.Ltmp0, $4  }
0xcd: {  	[hbm4b:s6+s3] =	stream.indirect_vreg.scatter [tilespmem:s1], [sflag:$0x1], $0x80, v3, vm0, $0xb8;
	[tilespmem:$0x18080] =	vst v63  }
0xce: {  	_ =	swait.ge [sflag:s4], $0x18000  }
0xcf: {  	[sflag:s4] =	ssyncset.done $0x0  }
0xd0: {  	s7 =	sadd.s32 $0xFFFFFFFF, s7;
	[sflag:s4] =	ssyncadd.s32 $0xFFFE8000  }
0xd1: {  	_ =	sfence.sel $0x180000  }
0xd2: {  	[bflag:$0x0] =	sbarrier.arrive $0xFFFF  }
0xd3: {  	_ =	strace $0x90000054  }
0xd4: {  	s0 =	stileid.u32;
	[bflag:$0x2] =	sbarrier.arrive $0xFFFF  }
0xd5: {  	p0 =	sne.s32 s0, $0x0;
	s0 =	rddreg [dreg:$0x2]  }
0xd6: {  	s0 =	sadd.s32 @!p0 $0x100000, s0  }
0xd7: {  	[sflag:s0] =	ssyncadd.tile.s32 @!p0 $0x1;
	_ =	shalt  }
.Lfunc_end2:
_tile_overlayer_lowered:
.L_overlay_start_2:
0xd8: {  	(tag) =	ssettag $0x2  }
0xd9: {  	s0 =	rddreg [dreg:$0x0];
	s2 =	stileid.u32  }
0xda: {  	s1 =	rddreg [dreg:$0x1];
	p0 =	sne.s32 s2, $0x0  }
0xdb: {  	s3 =	rddreg [dreg:$0x2];
	[bflag:$0x3] =	sbarrier.arrive $0xFFFF;
	s2 =	simm.s32 @!p0 $0x1C02  }
0xdc: {  	[timem:s3], [sflag:s2] =	dma.local @!p0 [hbm:s0], s1  }
0xdd: {  	s0 =	simm.s32 @!p0 $0x2  }
0xde: {  	_ =	swait.ge @!p0 [sflag:s0], s1  }
0xdf: {  	s1 =	ssub.s32 @!p0 $0x0, s1;
	[sflag:s0] =	ssyncset.done @!p0 $0x0  }
0xe0: {  	[sflag:s0] =	ssyncadd.s32 @!p0 s1  }
0xe1: {  	[bflag:$0x3] =	sbarrier.arrive $0xFFFF  }
0xe2: {  	_ =	shalt  }

</sc_bundles>
